<compile_context>
chip_gen: v7x
topology: tpu7x:2x2x1
jax: 0.10.2.dev20260603
libtpu: 0.0.44.dev20260713+nightly
codegen_flags: <defaults>
</compile_context>

<pallas_src>
import functools

import jax
import jax.numpy as jnp
import numpy as np
from jax import lax
from jax.experimental import pallas as pl
from jax.experimental.pallas import tpu as pltpu
from jax.experimental.pallas import tpu_sc as plsc

NC = 2
NS = 16
NW = NC * NS
CH = 128
EPS = 1e-5


NB = 2
NI = 8
ILAG = 6


@functools.partial(jax.jit, static_argnames=("npad", "d", "n_ch"))
def _sc_segment_sum(table, row1, col1, zeros, *, npad, d, n_ch):
    stripe = npad // NS
    mesh = plsc.VectorSubcoreMesh(
        core_axis_name="c", subcore_axis_name="s", num_cores=NC, num_subcores=NS
    )
    period = NI
    rounds = (n_ch + 1 + period - 1) // period

    @functools.partial(
        pl.kernel,
        out_type=jax.ShapeDtypeStruct((NC, npad, d), jnp.float32),
        mesh=mesh,
        scratch_types=[
            [pltpu.VMEM((CH,), jnp.int32) for _ in range(NI)],
            [pltpu.VMEM((CH,), jnp.int32) for _ in range(NI)],
            [pltpu.VMEM((CH, d), jnp.float32) for _ in range(NB)],
            pltpu.VMEM_SHARED((npad, d), jnp.float32),
            [pltpu.SemaphoreType.DMA for _ in range(NI)],
            [pltpu.SemaphoreType.DMA for _ in range(NB)],
            [pltpu.SemaphoreType.DMA for _ in range(NB)],
        ],
    )
    def k(table_h, row_h, col_h, zeros_h, out_h, rid_v, cid_v, rows_v, acc,
          isem, gsem, ssem):
        c = lax.axis_index("c")
        s = lax.axis_index("s")
        wid = s * NC + c
        pltpu.sync_copy(zeros_h, acc.at[pl.ds(s * stripe, stripe)])
        plsc.subcore_barrier()

        def fire_idx(j, ks):
            base = pl.multiple_of((wid * n_ch + j) * CH, CH)
            pltpu.async_copy(row_h.at[pl.ds(base, CH)], rid_v[ks], isem[ks])
            pltpu.async_copy(col_h.at[pl.ds(base, CH)], cid_v[ks], isem[ks])

        def fire_gather(j, ks, b, first):
            if not first:
                pltpu.make_async_copy(rows_v[b], acc.at[cid_v[ks]],
                                      ssem[b]).wait()
            pltpu.make_async_copy(row_h.at[pl.ds(0, CH)], rid_v[ks],
                                  isem[ks]).wait()
            pltpu.make_async_copy(col_h.at[pl.ds(0, CH)], cid_v[ks],
                                  isem[ks]).wait()
            pltpu.async_copy(table_h.at[rid_v[ks]], rows_v[b], gsem[b])

        def consume(ks, b):
            pltpu.make_async_copy(table_h.at[rid_v[ks]], rows_v[b],
                                  gsem[b]).wait()
            pltpu.async_copy(rows_v[b], acc.at[cid_v[ks]], ssem[b], add=True)

        def body(g, carry):
            for u in range(period):
                j = g * period + u
                jp = j + ILAG
                jc = j - 1

                @pl.when(jnp.logical_and(j >= NB, j < n_ch))
                def _():
                    fire_gather(j, u % NI, u % NB, False)

                @pl.when(jnp.logical_and(jp >= ILAG + NB, jp < n_ch))
                def _():
                    fire_idx(jp, (ILAG + u) % NI)

                @pl.when(jnp.logical_and(jc >= 0, jc < n_ch))
                def _():
                    consume((u - 1) % NI, (u - 1) % NB)
            return carry

        for j in range(min(ILAG + NB, n_ch)):
            fire_idx(j, j % NI)
        for j in range(min(NB, n_ch)):
            pltpu.make_async_copy(row_h.at[pl.ds(0, CH)], rid_v[j % NI],
                                  isem[j % NI]).wait()
            pltpu.make_async_copy(col_h.at[pl.ds(0, CH)], cid_v[j % NI],
                                  isem[j % NI]).wait()
            pltpu.async_copy(table_h.at[rid_v[j % NI]], rows_v[j % NB],
                             gsem[j % NB])
        lax.fori_loop(0, rounds, body, 0)
        for b in range(NB):
            pltpu.make_async_copy(rows_v[b], acc.at[cid_v[0]], ssem[b]).wait()
        plsc.subcore_barrier()
        pltpu.sync_copy(
            acc.at[pl.ds(s * stripe, stripe)],
            out_h.at[c, pl.ds(s * stripe, stripe)],
        )

    return k(table, row1, col1, zeros)


_DOT = functools.partial(
    jnp.dot, preferred_element_type=jnp.float32, precision=lax.Precision.HIGHEST
)


def _DOTB(a, b):
    return jnp.dot(a.astype(jnp.bfloat16), b.astype(jnp.bfloat16),
                   preferred_element_type=jnp.float32)


def _k_embed_matmul(x0_ref, x1_ref, e1_ref, e2_ref, w_ref, o_ref):
    rb = x0_ref.shape[-1]
    oh0 = (lax.broadcasted_iota(jnp.int32, (128, rb), 0) == x0_ref[0]).astype(jnp.float32)
    oh1 = (lax.broadcasted_iota(jnp.int32, (8, rb), 0) == x1_ref[0]).astype(jnp.float32)
    dims = (((0,), (0,)), ((), ()))
    h0 = lax.dot_general(oh0, e1_ref[...], dims,
                         preferred_element_type=jnp.float32,
                         precision=lax.Precision.HIGHEST)
    h0 += lax.dot_general(oh1, e2_ref[...], dims,
                          preferred_element_type=jnp.float32,
                          precision=lax.Precision.HIGHEST)
    o_ref[...] = _DOTB(h0, w_ref[...])


def _k_merge_stats(p_ref, cnt_ref, ee_ref, b_ref, z_ref, sum_ref, ssq_ref):
    i = pl.program_id(0)
    s_col = ((cnt_ref[0] + cnt_ref[1]) * ee_ref[...]).sum(axis=1, keepdims=True)
    z = p_ref[0] + p_ref[1] + b_ref[...] + s_col

    @pl.when(i == 0)
    def _():
        sum_ref[...] = jnp.zeros_like(sum_ref)
        ssq_ref[...] = jnp.zeros_like(ssq_ref)

    sum_ref[...] += z.sum(axis=0, keepdims=True)
    ssq_ref[...] += (z * z).sum(axis=0, keepdims=True)
    z_ref[...] = z


def _k_bn_matmul(n, relu, z_ref, sum_ref, ssq_ref, g_ref, b_ref, w_ref, o_ref):
    m = sum_ref[...] / n
    v = ssq_ref[...] / n - m * m
    a = g_ref[...] / jnp.sqrt(v + EPS)
    c = b_ref[...] - m * a
    t = z_ref[...] * a + c
    if relu:
        t = jnp.maximum(t, 0.0)
    o_ref[...] = _DOTB(t, w_ref[...])


def _bn_rows(o, g, b):
    m = o.mean(axis=0, keepdims=True)
    v = ((o - m) ** 2).mean(axis=0, keepdims=True)
    return (o - m) / jnp.sqrt(v + EPS) * g + b


def _k_pool_head(n, nblk, z_ref, sum_ref, ssq_ref, g_ref, b_ref, batch_ref,
                 wf_ref, bf_ref, wo0_ref, bo0_ref, og0_ref, ob0_ref,
                 wo1_ref, bo1_ref, og1_ref, ob1_ref, wo2_ref, bo2_ref,
                 hp_ref, o_ref, psum, pcnt):
    i = pl.program_id(0)
    m = sum_ref[...] / n
    v = ssq_ref[...] / n - m * m
    a = g_ref[...] / jnp.sqrt(v + EPS)
    c = b_ref[...] - m * a
    h5 = z_ref[...] * a + c
    rb = h5.shape[0]
    b_ids = batch_ref[0]
    onehot = (lax.broadcasted_iota(jnp.int32, (64, rb), 0) == b_ids).astype(jnp.float32)

    @pl.when(i == 0)
    def _():
        psum[...] = jnp.zeros_like(psum)
        pcnt[...] = jnp.zeros_like(pcnt)

    psum[...] += _DOT(onehot, h5)
    pcnt[...] += _DOT(onehot, jnp.ones((rb, 128), jnp.float32))

    @pl.when(i == nblk - 1)
    def _():
        hp = psum[...] / jnp.maximum(pcnt[...], 1.0)
        hp_ref[...] = hp
        he = _DOTB(hp, wf_ref[...]) + bf_ref[...]
        o = _DOTB(he, wo0_ref[...]) + bo0_ref[...]
        o = jnp.maximum(_bn_rows(o, og0_ref[...], ob0_ref[...]), 0.0)
        o = _DOTB(o, wo1_ref[...]) + bo1_ref[...]
        o = jnp.maximum(_bn_rows(o, og1_ref[...], ob1_ref[...]), 0.0)
        o_ref[...] = _DOTB(o, wo2_ref[...]) + bo2_ref[...]


def _pad1(a, e_pad, val):
    return jnp.concatenate([a, jnp.full((e_pad - a.shape[0],), val, jnp.int32)])


def kernel(x, edge_index, edge_attr, batch, params):
    p = params
    n = x.shape[0]
    e = edge_index.shape[1]
    d = 128
    npad = 10112
    rb = 400
    nblk = n // rb

    et = e + n
    unit = NW * CH
    e_pad = ((et + unit - 1) // unit) * unit
    n_ch = e_pad // (NW * CH)
    row = jnp.concatenate([edge_index[0], jnp.arange(n, dtype=jnp.int32)])
    col = jnp.concatenate([edge_index[1], jnp.arange(n, dtype=jnp.int32)])
    row1 = _pad1(row.astype(jnp.int32), e_pad, 0)
    col1 = _pad1(col.astype(jnp.int32), e_pad, n)

    a0 = jnp.concatenate([edge_attr[:, 0], jnp.full((n,), 4, edge_attr.dtype)])
    a1 = jnp.concatenate([edge_attr[:, 1], jnp.zeros((n,), edge_attr.dtype)])
    pid = _pad1(a0.astype(jnp.int32) * 3 + a1.astype(jnp.int32), e_pad, 0)
    rep = 256
    pid = pid + 16 * (jnp.arange(e_pad, dtype=jnp.int32) % rep)
    pt = np.zeros((16, 128), np.float32)
    for q in range(15):
        pt[q, q // 3] = 1.0
        pt[q, 5 + q % 3] = 1.0
    ptr = jnp.tile(jnp.asarray(pt), (rep, 1))

    z128 = jnp.zeros((npad // NS, d), jnp.float32)

    cntp = _sc_segment_sum(ptr, pid, col1, z128, npad=npad, d=d, n_ch=n_ch)

    def tc_call(body, grid, in_specs, out_shapes, out_specs, scratch=()):
        return pl.pallas_call(
            body,
            grid=(grid,),
            in_specs=in_specs,
            out_shape=out_shapes,
            out_specs=out_specs,
            scratch_shapes=list(scratch),
        )

    bs_p = pl.BlockSpec((NC, rb, d), lambda i: (0, i, 0))
    bs_c = bs_p
    bs_z = pl.BlockSpec((rb, d), lambda i: (i, 0))
    bs_w = pl.BlockSpec((d, d), lambda i: (0, 0))
    bs_v = pl.BlockSpec((1, d), lambda i: (0, 0))
    bs_e = bs_v

    emb1p = jnp.zeros((128, d), jnp.float32).at[:119].set(p["x_emb1"])
    emb2p = jnp.zeros((8, d), jnp.float32).at[:3].set(p["x_emb2"])
    x0_3d = x[:, 0].astype(jnp.int32).reshape(nblk, 1, rb)
    x1_3d = x[:, 1].astype(jnp.int32).reshape(nblk, 1, rb)
    bs_x = pl.BlockSpec((1, 1, rb), lambda i: (i, 0, 0))
    xw = tc_call(
        _k_embed_matmul, nblk,
        [bs_x, bs_x, pl.BlockSpec((128, d), lambda i: (0, 0)),
         pl.BlockSpec((8, d), lambda i: (0, 0)), bs_w],
        jax.ShapeDtypeStruct((n, d), jnp.float32), bs_z,
    )(x0_3d, x1_3d, emb1p, emb2p, p["W0"])

    fvec = jnp.float32
    for l in range(5):
        msgp = _sc_segment_sum(xw, row1, col1, z128, npad=npad, d=d, n_ch=n_ch)
        ee = jnp.zeros((1, d), fvec)
        ee = ee.at[0, :5].set(p[f"ee1_{l}"][:, 0]).at[0, 5:8].set(p[f"ee2_{l}"][:, 0])
        z, ssum, ssq = tc_call(
            _k_merge_stats, nblk, [bs_p, bs_c, bs_e, bs_v],
            [jax.ShapeDtypeStruct((n, d), jnp.float32),
             jax.ShapeDtypeStruct((1, d), jnp.float32),
             jax.ShapeDtypeStruct((1, d), jnp.float32)],
            [bs_z, bs_v, bs_v],
        )(msgp, cntp, ee, p[f"b{l}"].reshape(1, d))
        g = p[f"bng{l}"].reshape(1, d)
        b = p[f"bnb{l}"].reshape(1, d)
        if l < 4:
            xw = tc_call(
                functools.partial(_k_bn_matmul, float(n), True), nblk,
                [bs_z, bs_v, bs_v, bs_v, bs_v, bs_w],
                jax.ShapeDtypeStruct((n, d), jnp.float32), bs_z,
            )(z, ssum, ssq, g, b, p[f"W{l + 1}"])

    fd = 256
    batch3 = batch.astype(jnp.int32).reshape(nblk, 1, rb)
    bs_b = pl.BlockSpec((1, 1, rb), lambda i: (i, 0, 0))
    full = lambda shape: pl.BlockSpec(shape, lambda i: tuple(0 for _ in shape))
    hp, o = tc_call(
        functools.partial(_k_pool_head, float(n), nblk), nblk,
        [bs_z, bs_v, bs_v, bs_v, bs_v, bs_b,
         full((d, fd)), full((1, fd)),
         full((fd, fd)), full((1, fd)), full((1, fd)), full((1, fd)),
         full((fd, fd)), full((1, fd)), full((1, fd)), full((1, fd)),
         full((fd, fd)), full((1, fd))],
        [jax.ShapeDtypeStruct((64, d), jnp.float32),
         jax.ShapeDtypeStruct((64, fd), jnp.float32)],
        [full((64, d)), full((64, fd))],
        scratch=[pltpu.VMEM((64, d), jnp.float32), pltpu.VMEM((64, d), jnp.float32)],
    )(z, ssum, ssq, g, b, batch3,
      p["Wf"], p["bf"].reshape(1, fd),
      p["Wo0"], p["bo0"].reshape(1, fd), p["og0"].reshape(1, fd), p["ob0"].reshape(1, fd),
      p["Wo1"], p["bo1"].reshape(1, fd), p["og1"].reshape(1, fd), p["ob1"].reshape(1, fd),
      p["Wo2"], p["bo2"].reshape(1, fd))
    return (hp, o)

# --- scband reference (transcript-rebuilt; emitter-appended) ---
"""Pipeline reference for scband-gcn-69191923138833 (READ-ONLY COPY).

The authoritative reference and input builder live on the scoring server;
editing this copy changes nothing except your own understanding.
"""

import jax, jax.numpy as jnp
import numpy as np

N = 10000
E = 320000
D = 128
FD = 256
L = 5
G = 64


def _glorot(key, shape):
    limit = float(np.sqrt(6.0 / (shape[0] + shape[1])))
    return jax.random.uniform(key, shape, jnp.float32, -limit, limit)


def setup_inputs(seed: int = 0):
    key = jax.random.key(seed)
    ks = jax.random.split(key, 64)
    x = jax.random.randint(ks[0], (N, 2), 0, 3)
    edge_index = jax.random.randint(ks[1], (2, E), 0, N)
    edge_attr = jax.random.randint(ks[2], (E, 2), 0, 3)
    batch = jnp.sort(jax.random.randint(ks[3], (N,), 0, G))
    p = {}
    p["x_emb1"] = _glorot(ks[4], (119, D))
    p["x_emb2"] = _glorot(ks[5], (3, D))
    for l in range(L):
        p[f"W{l}"] = _glorot(ks[6 + l], (D, D))
        p[f"b{l}"] = jnp.zeros((D,), jnp.float32)
        p[f"ee1_{l}"] = _glorot(ks[12 + l], (5, 1))
        p[f"ee2_{l}"] = _glorot(ks[18 + l], (3, 1))
        p[f"bng{l}"] = jnp.ones((D,), jnp.float32)
        p[f"bnb{l}"] = jnp.zeros((D,), jnp.float32)
    p["Wf"] = _glorot(ks[24], (D, FD))
    p["bf"] = jnp.zeros((FD,), jnp.float32)
    p["Wo0"] = _glorot(ks[25], (FD, FD))
    p["bo0"] = jnp.zeros((FD,), jnp.float32)
    p["og0"] = jnp.ones((FD,), jnp.float32)
    p["ob0"] = jnp.zeros((FD,), jnp.float32)
    p["Wo1"] = _glorot(ks[26], (FD, FD))
    p["bo1"] = jnp.zeros((FD,), jnp.float32)
    p["og1"] = jnp.ones((FD,), jnp.float32)
    p["ob1"] = jnp.zeros((FD,), jnp.float32)
    p["Wo2"] = _glorot(ks[27], (FD, FD))
    p["bo2"] = jnp.zeros((FD,), jnp.float32)
    return {"x": x, "edge_index": edge_index, "edge_attr": edge_attr, "batch": batch, "params": p}


def _bn(z, g, b):
    # BatchNorm1d in training mode: biased batch statistics, eps=1e-5
    m = z.mean(axis=0)
    v = z.var(axis=0)
    return (z - m) / jnp.sqrt(v + 1e-5) * g + b


def _forward(params, x, edge_index, edge_attr, batch):
    n = x.shape[0]
    h = params["x_emb1"][x[:, 0]] + params["x_emb2"][x[:, 1]]
    loops = jnp.arange(n)
    ei = jnp.concatenate([edge_index, jnp.stack([loops, loops], axis=0)], axis=1)
    sl = jnp.concatenate([jnp.full((n, 1), 4, edge_attr.dtype), jnp.zeros((n, 1), edge_attr.dtype)], axis=1)
    ea = jnp.concatenate([edge_attr, sl], axis=0)
    row, col = ei[0], ei[1]
    for l in range(L):
        ee = params[f"ee1_{l}"][ea[:, 0]] + params[f"ee2_{l}"][ea[:, 1]]  # [E+N, 1]
        xw = h @ params[f"W{l}"]
        # NOTE: original code computes gcn_norm but discards the norm (assigned to __),
        # so messages are NOT scaled; message = x_j + edge_emb, aggregated with add at col.
        msg = xw[row] + ee
        out = jax.ops.segment_sum(msg, col, num_segments=n) + params[f"b{l}"]
        out = _bn(out, params[f"bng{l}"], params[f"bnb{l}"])
        if l < L - 1:
            h = jax.nn.relu(out)
        else:
            h = out
    sums = jax.ops.segment_sum(h, batch, num_segments=G)
    counts = jax.ops.segment_sum(jnp.ones((n,), jnp.float32), batch, num_segments=G)
    h_pool = sums / jnp.maximum(counts, 1.0)[:, None]
    h_exp = h_pool @ params["Wf"] + params["bf"]
    o = h_exp @ params["Wo0"] + params["bo0"]
    o = jax.nn.relu(_bn(o, params["og0"], params["ob0"]))
    o = o @ params["Wo1"] + params["bo1"]
    o = jax.nn.relu(_bn(o, params["og1"], params["ob1"]))
    o = o @ params["Wo2"] + params["bo2"]
    return (h_pool, o)


def reference(x, edge_index, edge_attr, batch, params):
    return _forward(params, x, edge_index, edge_attr, batch)

if __name__ == "__main__":
    import jax
    _d = setup_inputs()
    print(jax.jit(kernel)(*tuple(_d.values())))

</pallas_src>

<mosaic_0001>
#map = affine_map<(d0, d1) -> (0, 0)>
#map1 = affine_map<(d0, d1) -> (0)>
#map2 = affine_map<(d0, d1) -> (0, 0, 0)>
module attributes {stable_mosaic.version = 14 : i64} {
  func.func @k(%arg0: i32, %arg1: i32, %arg2: memref<4096x128xf32, #tpu.memory_space<hbm>>, %arg3: memref<331776xi32, #tpu.memory_space<hbm>>, %arg4: memref<331776xi32, #tpu.memory_space<hbm>>, %arg5: memref<632x128xf32, #tpu.memory_space<hbm>>, %arg6: memref<2x10112x128xf32, #tpu.memory_space<hbm>>, %arg7: memref<128xi32, #tpu.memory_space<vmem>>, %arg8: memref<128xi32, #tpu.memory_space<vmem>>, %arg9: memref<128xi32, #tpu.memory_space<vmem>>, %arg10: memref<128xi32, #tpu.memory_space<vmem>>, %arg11: memref<128xi32, #tpu.memory_space<vmem>>, %arg12: memref<128xi32, #tpu.memory_space<vmem>>, %arg13: memref<128xi32, #tpu.memory_space<vmem>>, %arg14: memref<128xi32, #tpu.memory_space<vmem>>, %arg15: memref<128xi32, #tpu.memory_space<vmem>>, %arg16: memref<128xi32, #tpu.memory_space<vmem>>, %arg17: memref<128xi32, #tpu.memory_space<vmem>>, %arg18: memref<128xi32, #tpu.memory_space<vmem>>, %arg19: memref<128xi32, #tpu.memory_space<vmem>>, %arg20: memref<128xi32, #tpu.memory_space<vmem>>, %arg21: memref<128xi32, #tpu.memory_space<vmem>>, %arg22: memref<128xi32, #tpu.memory_space<vmem>>, %arg23: memref<128x128xf32, #tpu.memory_space<vmem>>, %arg24: memref<128x128xf32, #tpu.memory_space<vmem>>, %arg25: memref<10112x128xf32, #tpu.memory_space<vmem_shared>>, %arg26: memref<!tpu.dma_semaphore, #tpu.memory_space<semaphore_mem>>, %arg27: memref<!tpu.dma_semaphore, #tpu.memory_space<semaphore_mem>>, %arg28: memref<!tpu.dma_semaphore, #tpu.memory_space<semaphore_mem>>, %arg29: memref<!tpu.dma_semaphore, #tpu.memory_space<semaphore_mem>>, %arg30: memref<!tpu.dma_semaphore, #tpu.memory_space<semaphore_mem>>, %arg31: memref<!tpu.dma_semaphore, #tpu.memory_space<semaphore_mem>>, %arg32: memref<!tpu.dma_semaphore, #tpu.memory_space<semaphore_mem>>, %arg33: memref<!tpu.dma_semaphore, #tpu.memory_space<semaphore_mem>>, %arg34: memref<!tpu.dma_semaphore, #tpu.memory_space<semaphore_mem>>, %arg35: memref<!tpu.dma_semaphore, #tpu.memory_space<semaphore_mem>>, %arg36: memref<!tpu.dma_semaphore, #tpu.memory_space<semaphore_mem>>, %arg37: memref<!tpu.dma_semaphore, #tpu.memory_space<semaphore_mem>>) attributes {dimension_semantics = [#tpu.dimension_semantics<core_parallel>, #tpu.dimension_semantics<subcore_parallel>], iteration_bounds = array<i64: 2, 16>, scalar_prefetch = 0 : i64, scratch_operands = 31 : i64, tpu.core_type = #tpu.core_type<sc_vector_subcore>, window_params = [{transform_indices = #map}, {transform_indices = #map1}, {transform_indices = #map1}, {transform_indices = #map}, {transform_indices = #map2}]} {
    %mul3A = arith.constant 2 : i32
    %mul3A_0 = arith.muli %arg1, %mul3A : i32
    %add3A = arith.addi %mul3A_0, %arg0 : i32
    %mul3A_1 = arith.constant 632 : i32
    %mul3A_2 = arith.muli %arg1, %mul3A_1 : i32
    "tpu.region"() ({
      %run_scoped3A = tpu.sem_alloc : memref<!tpu.dma_semaphore, #tpu.memory_space<semaphore_mem>>
      %dma_start3A_126 = arith.constant 0 : i32
      %dma_start3A_127 = tpu.memref_slice %arg25[%mul3A_2, %dma_start3A_126] : memref<10112x128xf32, #tpu.memory_space<vmem_shared>> -> memref<632x128xf32, #tpu.memory_space<vmem_shared>>
      tpu.enqueue_dma source(%arg5 : memref<632x128xf32, #tpu.memory_space<hbm>>) target(%dma_start3A_127 : memref<632x128xf32, #tpu.memory_space<vmem_shared>>) target_semaphore(%run_scoped3A : memref<!tpu.dma_semaphore, #tpu.memory_space<semaphore_mem>>)
      %dma_wait3A_128 = arith.constant 0 : i32
      %dma_wait3A_129 = tpu.memref_slice %arg25[%mul3A_2, %dma_wait3A_128] : memref<10112x128xf32, #tpu.memory_space<vmem_shared>> -> memref<632x128xf32, #tpu.memory_space<vmem_shared>>
      tpu.wait_dma2 semaphore(%run_scoped3A : memref<!tpu.dma_semaphore, #tpu.memory_space<semaphore_mem>>) src(%arg5 : memref<632x128xf32, #tpu.memory_space<hbm>>) dst(%dma_wait3A_129 : memref<632x128xf32, #tpu.memory_space<vmem_shared>>)
      tpu.yield
    }) : () -> ()
    %barrier3A = arith.constant 0 : index
    tpu.barrier barrier_id(%barrier3A)
    %mul3A_3 = arith.constant 81 : i32
    %mul3A_4 = arith.muli %add3A, %mul3A_3 : i32
    %add3A_5 = arith.constant 0 : i32
    %add3A_6 = arith.addi %mul3A_4, %add3A_5 : i32
    %mul3A_7 = arith.constant 128 : i32
    %mul3A_8 = arith.muli %add3A_6, %mul3A_7 : i32
    %multiple_of3A = tpu.assume_multiple %mul3A_8, 128 : i32
    %dma_start3A = tpu.memref_slice %arg3[%multiple_of3A] : memref<331776xi32, #tpu.memory_space<hbm>> -> memref<128xi32, #tpu.memory_space<hbm>>
    %dma_start3A_9 = tpu.memref_slice %arg3[%multiple_of3A] : memref<331776xi32, #tpu.memory_space<hbm>> -> memref<128xi32, #tpu.memory_space<hbm>>
    tpu.enqueue_dma source(%dma_start3A_9 : memref<128xi32, #tpu.memory_space<hbm>>) target(%arg7 : memref<128xi32, #tpu.memory_space<vmem>>) target_semaphore(%arg26 : memref<!tpu.dma_semaphore, #tpu.memory_space<semaphore_mem>>)
    %dma_start3A_10 = tpu.memref_slice %arg4[%multiple_of3A] : memref<331776xi32, #tpu.memory_space<hbm>> -> memref<128xi32, #tpu.memory_space<hbm>>
    %dma_start3A_11 = tpu.memref_slice %arg4[%multiple_of3A] : memref<331776xi32, #tpu.memory_space<hbm>> -> memref<128xi32, #tpu.memory_space<hbm>>
    tpu.enqueue_dma source(%dma_start3A_11 : memref<128xi32, #tpu.memory_space<hbm>>) target(%arg15 : memref<128xi32, #tpu.memory_space<vmem>>) target_semaphore(%arg26 : memref<!tpu.dma_semaphore, #tpu.memory_space<semaphore_mem>>)
    %mul3A_12 = arith.constant 81 : i32
    %mul3A_13 = arith.muli %add3A, %mul3A_12 : i32
    %add3A_14 = arith.constant 1 : i32
    %add3A_15 = arith.addi %mul3A_13, %add3A_14 : i32
    %mul3A_16 = arith.constant 128 : i32
    %mul3A_17 = arith.muli %add3A_15, %mul3A_16 : i32
    %multiple_of3A_18 = tpu.assume_multiple %mul3A_17, 128 : i32
    %dma_start3A_19 = tpu.memref_slice %arg3[%multiple_of3A_18] : memref<331776xi32, #tpu.memory_space<hbm>> -> memref<128xi32, #tpu.memory_space<hbm>>
    %dma_start3A_20 = tpu.memref_slice %arg3[%multiple_of3A_18] : memref<331776xi32, #tpu.memory_space<hbm>> -> memref<128xi32, #tpu.memory_space<hbm>>
    tpu.enqueue_dma source(%dma_start3A_20 : memref<128xi32, #tpu.memory_space<hbm>>) target(%arg8 : memref<128xi32, #tpu.memory_space<vmem>>) target_semaphore(%arg27 : memref<!tpu.dma_semaphore, #tpu.memory_space<semaphore_mem>>)
    %dma_start3A_21 = tpu.memref_slice %arg4[%multiple_of3A_18] : memref<331776xi32, #tpu.memory_space<hbm>> -> memref<128xi32, #tpu.memory_space<hbm>>
    %dma_start3A_22 = tpu.memref_slice %arg4[%multiple_of3A_18] : memref<331776xi32, #tpu.memory_space<hbm>> -> memref<128xi32, #tpu.memory_space<hbm>>
    tpu.enqueue_dma source(%dma_start3A_22 : memref<128xi32, #tpu.memory_space<hbm>>) target(%arg16 : memref<128xi32, #tpu.memory_space<vmem>>) target_semaphore(%arg27 : memref<!tpu.dma_semaphore, #tpu.memory_space<semaphore_mem>>)
    %mul3A_23 = arith.constant 81 : i32
    %mul3A_24 = arith.muli %add3A, %mul3A_23 : i32
    %add3A_25 = arith.constant 2 : i32
    %add3A_26 = arith.addi %mul3A_24, %add3A_25 : i32
    %mul3A_27 = arith.constant 128 : i32
    %mul3A_28 = arith.muli %add3A_26, %mul3A_27 : i32
    %multiple_of3A_29 = tpu.assume_multiple %mul3A_28, 128 : i32
    %dma_start3A_30 = tpu.memref_slice %arg3[%multiple_of3A_29] : memref<331776xi32, #tpu.memory_space<hbm>> -> memref<128xi32, #tpu.memory_space<hbm>>
    %dma_start3A_31 = tpu.memref_slice %arg3[%multiple_of3A_29] : memref<331776xi32, #tpu.memory_space<hbm>> -> memref<128xi32, #tpu.memory_space<hbm>>
    tpu.enqueue_dma source(%dma_start3A_31 : memref<128xi32, #tpu.memory_space<hbm>>) target(%arg9 : memref<128xi32, #tpu.memory_space<vmem>>) target_semaphore(%arg28 : memref<!tpu.dma_semaphore, #tpu.memory_space<semaphore_mem>>)
    %dma_start3A_32 = tpu.memref_slice %arg4[%multiple_of3A_29] : memref<331776xi32, #tpu.memory_space<hbm>> -> memref<128xi32, #tpu.memory_space<hbm>>
    %dma_start3A_33 = tpu.memref_slice %arg4[%multiple_of3A_29] : memref<331776xi32, #tpu.memory_space<hbm>> -> memref<128xi32, #tpu.memory_space<hbm>>
    tpu.enqueue_dma source(%dma_start3A_33 : memref<128xi32, #tpu.memory_space<hbm>>) target(%arg17 : memref<128xi32, #tpu.memory_space<vmem>>) target_semaphore(%arg28 : memref<!tpu.dma_semaphore, #tpu.memory_space<semaphore_mem>>)
    %mul3A_34 = arith.constant 81 : i32
    %mul3A_35 = arith.muli %add3A, %mul3A_34 : i32
    %add3A_36 = arith.constant 3 : i32
    %add3A_37 = arith.addi %mul3A_35, %add3A_36 : i32
    %mul3A_38 = arith.constant 128 : i32
    %mul3A_39 = arith.muli %add3A_37, %mul3A_38 : i32
    %multiple_of3A_40 = tpu.assume_multiple %mul3A_39, 128 : i32
    %dma_start3A_41 = tpu.memref_slice %arg3[%multiple_of3A_40] : memref<331776xi32, #tpu.memory_space<hbm>> -> memref<128xi32, #tpu.memory_space<hbm>>
    %dma_start3A_42 = tpu.memref_slice %arg3[%multiple_of3A_40] : memref<331776xi32, #tpu.memory_space<hbm>> -> memref<128xi32, #tpu.memory_space<hbm>>
    tpu.enqueue_dma source(%dma_start3A_42 : memref<128xi32, #tpu.memory_space<hbm>>) target(%arg10 : memref<128xi32, #tpu.memory_space<vmem>>) target_semaphore(%arg29 : memref<!tpu.dma_semaphore, #tpu.memory_space<semaphore_mem>>)
    %dma_start3A_43 = tpu.memref_slice %arg4[%multiple_of3A_40] : memref<331776xi32, #tpu.memory_space<hbm>> -> memref<128xi32, #tpu.memory_space<hbm>>
    %dma_start3A_44 = tpu.memref_slice %arg4[%multiple_of3A_40] : memref<331776xi32, #tpu.memory_space<hbm>> -> memref<128xi32, #tpu.memory_space<hbm>>
    tpu.enqueue_dma source(%dma_start3A_44 : memref<128xi32, #tpu.memory_space<hbm>>) target(%arg18 : memref<128xi32, #tpu.memory_space<vmem>>) target_semaphore(%arg29 : memref<!tpu.dma_semaphore, #tpu.memory_space<semaphore_mem>>)
    %mul3A_45 = arith.constant 81 : i32
    %mul3A_46 = arith.muli %add3A, %mul3A_45 : i32
    %add3A_47 = arith.constant 4 : i32
    %add3A_48 = arith.addi %mul3A_46, %add3A_47 : i32
    %mul3A_49 = arith.constant 128 : i32
    %mul3A_50 = arith.muli %add3A_48, %mul3A_49 : i32
    %multiple_of3A_51 = tpu.assume_multiple %mul3A_50, 128 : i32
    %dma_start3A_52 = tpu.memref_slice %arg3[%multiple_of3A_51] : memref<331776xi32, #tpu.memory_space<hbm>> -> memref<128xi32, #tpu.memory_space<hbm>>
    %dma_start3A_53 = tpu.memref_slice %arg3[%multiple_of3A_51] : memref<331776xi32, #tpu.memory_space<hbm>> -> memref<128xi32, #tpu.memory_space<hbm>>
    tpu.enqueue_dma source(%dma_start3A_53 : memref<128xi32, #tpu.memory_space<hbm>>) target(%arg11 : memref<128xi32, #tpu.memory_space<vmem>>) target_semaphore(%arg30 : memref<!tpu.dma_semaphore, #tpu.memory_space<semaphore_mem>>)
    %dma_start3A_54 = tpu.memref_slice %arg4[%multiple_of3A_51] : memref<331776xi32, #tpu.memory_space<hbm>> -> memref<128xi32, #tpu.memory_space<hbm>>
    %dma_start3A_55 = tpu.memref_slice %arg4[%multiple_of3A_51] : memref<331776xi32, #tpu.memory_space<hbm>> -> memref<128xi32, #tpu.memory_space<hbm>>
    tpu.enqueue_dma source(%dma_start3A_55 : memref<128xi32, #tpu.memory_space<hbm>>) target(%arg19 : memref<128xi32, #tpu.memory_space<vmem>>) target_semaphore(%arg30 : memref<!tpu.dma_semaphore, #tpu.memory_space<semaphore_mem>>)
    %mul3A_56 = arith.constant 81 : i32
    %mul3A_57 = arith.muli %add3A, %mul3A_56 : i32
    %add3A_58 = arith.constant 5 : i32
    %add3A_59 = arith.addi %mul3A_57, %add3A_58 : i32
    %mul3A_60 = arith.constant 128 : i32
    %mul3A_61 = arith.muli %add3A_59, %mul3A_60 : i32
    %multiple_of3A_62 = tpu.assume_multiple %mul3A_61, 128 : i32
    %dma_start3A_63 = tpu.memref_slice %arg3[%multiple_of3A_62] : memref<331776xi32, #tpu.memory_space<hbm>> -> memref<128xi32, #tpu.memory_space<hbm>>
    %dma_start3A_64 = tpu.memref_slice %arg3[%multiple_of3A_62] : memref<331776xi32, #tpu.memory_space<hbm>> -> memref<128xi32, #tpu.memory_space<hbm>>
    tpu.enqueue_dma source(%dma_start3A_64 : memref<128xi32, #tpu.memory_space<hbm>>) target(%arg12 : memref<128xi32, #tpu.memory_space<vmem>>) target_semaphore(%arg31 : memref<!tpu.dma_semaphore, #tpu.memory_space<semaphore_mem>>)
    %dma_start3A_65 = tpu.memref_slice %arg4[%multiple_of3A_62] : memref<331776xi32, #tpu.memory_space<hbm>> -> memref<128xi32, #tpu.memory_space<hbm>>
    %dma_start3A_66 = tpu.memref_slice %arg4[%multiple_of3A_62] : memref<331776xi32, #tpu.memory_space<hbm>> -> memref<128xi32, #tpu.memory_space<hbm>>
    tpu.enqueue_dma source(%dma_start3A_66 : memref<128xi32, #tpu.memory_space<hbm>>) target(%arg20 : memref<128xi32, #tpu.memory_space<vmem>>) target_semaphore(%arg31 : memref<!tpu.dma_semaphore, #tpu.memory_space<semaphore_mem>>)
    %mul3A_67 = arith.constant 81 : i32
    %mul3A_68 = arith.muli %add3A, %mul3A_67 : i32
    %add3A_69 = arith.constant 6 : i32
    %add3A_70 = arith.addi %mul3A_68, %add3A_69 : i32
    %mul3A_71 = arith.constant 128 : i32
    %mul3A_72 = arith.muli %add3A_70, %mul3A_71 : i32
    %multiple_of3A_73 = tpu.assume_multiple %mul3A_72, 128 : i32
    %dma_start3A_74 = tpu.memref_slice %arg3[%multiple_of3A_73] : memref<331776xi32, #tpu.memory_space<hbm>> -> memref<128xi32, #tpu.memory_space<hbm>>
    %dma_start3A_75 = tpu.memref_slice %arg3[%multiple_of3A_73] : memref<331776xi32, #tpu.memory_space<hbm>> -> memref<128xi32, #tpu.memory_space<hbm>>
    tpu.enqueue_dma source(%dma_start3A_75 : memref<128xi32, #tpu.memory_space<hbm>>) target(%arg13 : memref<128xi32, #tpu.memory_space<vmem>>) target_semaphore(%arg32 : memref<!tpu.dma_semaphore, #tpu.memory_space<semaphore_mem>>)
    %dma_start3A_76 = tpu.memref_slice %arg4[%multiple_of3A_73] : memref<331776xi32, #tpu.memory_space<hbm>> -> memref<128xi32, #tpu.memory_space<hbm>>
    %dma_start3A_77 = tpu.memref_slice %arg4[%multiple_of3A_73] : memref<331776xi32, #tpu.memory_space<hbm>> -> memref<128xi32, #tpu.memory_space<hbm>>
    tpu.enqueue_dma source(%dma_start3A_77 : memref<128xi32, #tpu.memory_space<hbm>>) target(%arg21 : memref<128xi32, #tpu.memory_space<vmem>>) target_semaphore(%arg32 : memref<!tpu.dma_semaphore, #tpu.memory_space<semaphore_mem>>)
    %mul3A_78 = arith.constant 81 : i32
    %mul3A_79 = arith.muli %add3A, %mul3A_78 : i32
    %add3A_80 = arith.constant 7 : i32
    %add3A_81 = arith.addi %mul3A_79, %add3A_80 : i32
    %mul3A_82 = arith.constant 128 : i32
    %mul3A_83 = arith.muli %add3A_81, %mul3A_82 : i32
    %multiple_of3A_84 = tpu.assume_multiple %mul3A_83, 128 : i32
    %dma_start3A_85 = tpu.memref_slice %arg3[%multiple_of3A_84] : memref<331776xi32, #tpu.memory_space<hbm>> -> memref<128xi32, #tpu.memory_space<hbm>>
    %dma_start3A_86 = tpu.memref_slice %arg3[%multiple_of3A_84] : memref<331776xi32, #tpu.memory_space<hbm>> -> memref<128xi32, #tpu.memory_space<hbm>>
    tpu.enqueue_dma source(%dma_start3A_86 : memref<128xi32, #tpu.memory_space<hbm>>) target(%arg14 : memref<128xi32, #tpu.memory_space<vmem>>) target_semaphore(%arg33 : memref<!tpu.dma_semaphore, #tpu.memory_space<semaphore_mem>>)
    %dma_start3A_87 = tpu.memref_slice %arg4[%multiple_of3A_84] : memref<331776xi32, #tpu.memory_space<hbm>> -> memref<128xi32, #tpu.memory_space<hbm>>
    %dma_start3A_88 = tpu.memref_slice %arg4[%multiple_of3A_84] : memref<331776xi32, #tpu.memory_space<hbm>> -> memref<128xi32, #tpu.memory_space<hbm>>
    tpu.enqueue_dma source(%dma_start3A_88 : memref<128xi32, #tpu.memory_space<hbm>>) target(%arg22 : memref<128xi32, #tpu.memory_space<vmem>>) target_semaphore(%arg33 : memref<!tpu.dma_semaphore, #tpu.memory_space<semaphore_mem>>)
    %dma_wait3A = arith.constant 0 : i32
    %dma_wait3A_89 = tpu.memref_slice %arg3[%dma_wait3A] : memref<331776xi32, #tpu.memory_space<hbm>> -> memref<128xi32, #tpu.memory_space<hbm>>
    %dma_wait3A_90 = arith.constant 0 : i32
    %dma_wait3A_91 = tpu.memref_slice %arg3[%dma_wait3A_90] : memref<331776xi32, #tpu.memory_space<hbm>> -> memref<128xi32, #tpu.memory_space<hbm>>
    tpu.wait_dma2 semaphore(%arg26 : memref<!tpu.dma_semaphore, #tpu.memory_space<semaphore_mem>>) src(%dma_wait3A_91 : memref<128xi32, #tpu.memory_space<hbm>>) dst(%arg7 : memref<128xi32, #tpu.memory_space<vmem>>)
    %dma_wait3A_92 = arith.constant 0 : i32
    %dma_wait3A_93 = tpu.memref_slice %arg4[%dma_wait3A_92] : memref<331776xi32, #tpu.memory_space<hbm>> -> memref<128xi32, #tpu.memory_space<hbm>>
    %dma_wait3A_94 = arith.constant 0 : i32
    %dma_wait3A_95 = tpu.memref_slice %arg4[%dma_wait3A_94] : memref<331776xi32, #tpu.memory_space<hbm>> -> memref<128xi32, #tpu.memory_space<hbm>>
    tpu.wait_dma2 semaphore(%arg26 : memref<!tpu.dma_semaphore, #tpu.memory_space<semaphore_mem>>) src(%dma_wait3A_95 : memref<128xi32, #tpu.memory_space<hbm>>) dst(%arg15 : memref<128xi32, #tpu.memory_space<vmem>>)
    %dma_start3A_96 = arith.constant 0 : i32
    %dma_start3A_97 = arith.constant 0 : i32
    %dma_start3A_98 = tpu.memref_slice %arg2[%dma_start3A_96, %dma_start3A_97] : memref<4096x128xf32, #tpu.memory_space<hbm>> -> memref<4096x128xf32, #tpu.memory_space<hbm>>
    tpu.enqueue_indirect_dma source(%dma_start3A_98 : memref<4096x128xf32, #tpu.memory_space<hbm>>) target(%arg23 : memref<128x128xf32, #tpu.memory_space<vmem>>) offsets(%arg7 : memref<128xi32, #tpu.memory_space<vmem>>) semaphore(%arg34 : memref<!tpu.dma_semaphore, #tpu.memory_space<semaphore_mem>>)
    %dma_wait3A_99 = arith.constant 0 : i32
    %dma_wait3A_100 = tpu.memref_slice %arg3[%dma_wait3A_99] : memref<331776xi32, #tpu.memory_space<hbm>> -> memref<128xi32, #tpu.memory_space<hbm>>
    %dma_wait3A_101 = arith.constant 0 : i32
    %dma_wait3A_102 = tpu.memref_slice %arg3[%dma_wait3A_101] : memref<331776xi32, #tpu.memory_space<hbm>> -> memref<128xi32, #tpu.memory_space<hbm>>
    tpu.wait_dma2 semaphore(%arg27 : memref<!tpu.dma_semaphore, #tpu.memory_space<semaphore_mem>>) src(%dma_wait3A_102 : memref<128xi32, #tpu.memory_space<hbm>>) dst(%arg8 : memref<128xi32, #tpu.memory_space<vmem>>)
    %dma_wait3A_103 = arith.constant 0 : i32
    %dma_wait3A_104 = tpu.memref_slice %arg4[%dma_wait3A_103] : memref<331776xi32, #tpu.memory_space<hbm>> -> memref<128xi32, #tpu.memory_space<hbm>>
    %dma_wait3A_105 = arith.constant 0 : i32
    %dma_wait3A_106 = tpu.memref_slice %arg4[%dma_wait3A_105] : memref<331776xi32, #tpu.memory_space<hbm>> -> memref<128xi32, #tpu.memory_space<hbm>>
    tpu.wait_dma2 semaphore(%arg27 : memref<!tpu.dma_semaphore, #tpu.memory_space<semaphore_mem>>) src(%dma_wait3A_106 : memref<128xi32, #tpu.memory_space<hbm>>) dst(%arg16 : memref<128xi32, #tpu.memory_space<vmem>>)
    %dma_start3A_107 = arith.constant 0 : i32
    %dma_start3A_108 = arith.constant 0 : i32
    %dma_start3A_109 = tpu.memref_slice %arg2[%dma_start3A_107, %dma_start3A_108] : memref<4096x128xf32, #tpu.memory_space<hbm>> -> memref<4096x128xf32, #tpu.memory_space<hbm>>
    tpu.enqueue_indirect_dma source(%dma_start3A_109 : memref<4096x128xf32, #tpu.memory_space<hbm>>) target(%arg24 : memref<128x128xf32, #tpu.memory_space<vmem>>) offsets(%arg8 : memref<128xi32, #tpu.memory_space<vmem>>) semaphore(%arg35 : memref<!tpu.dma_semaphore, #tpu.memory_space<semaphore_mem>>)
    %scan3A = arith.constant 0 : i32
    %scan3A_110 = arith.constant 0 : i32
    %scan3A_111 = arith.constant 11 : i32
    %scan3A_112 = arith.addi %scan3A_110, %scan3A_111 : i32
    %scan3A_113 = arith.constant 1 : i32
    scf.for %scan3A_126 = %scan3A_110 to %scan3A_112 step %scan3A_113  : i32 {
      %mul3A_127 = arith.constant 8 : i32
      %mul3A_128 = arith.muli %scan3A_126, %mul3A_127 : i32
      %add3A_129 = arith.constant 0 : i32
      %add3A_130 = arith.addi %mul3A_128, %add3A_129 : i32
      %add3A_131 = arith.constant 6 : i32
      %add3A_132 = arith.addi %add3A_130, %add3A_131 : i32
      %sub3A = arith.constant 1 : i32
      %sub3A_133 = arith.subi %add3A_130, %sub3A : i32
      %ge3A = arith.constant 2 : i32
      %ge3A_134 = arith.cmpi sge, %add3A_130, %ge3A : i32
      %lt3A = arith.constant 81 : i32
      %lt3A_135 = arith.cmpi slt, %add3A_130, %lt3A : i32
      %and3A = arith.andi %ge3A_134, %lt3A_135 : i1
      %convert_element_type3A = arith.extui %and3A : i1 to i32
      %cond3A = arith.constant 0 : i32
      %cond3A_136 = arith.cmpi ne, %convert_element_type3A, %cond3A : i32
      scf.if %cond3A_136 {
        %dma_wait3A_377 = arith.constant 0 : i32
        %dma_wait3A_378 = arith.constant 0 : i32
        %dma_wait3A_379 = tpu.memref_slice %arg25[%dma_wait3A_377, %dma_wait3A_378] : memref<10112x128xf32, #tpu.memory_space<vmem_shared>> -> memref<10112x128xf32, #tpu.memory_space<vmem_shared>>
        tpu.wait_indirect_dma semaphore(%arg36 : memref<!tpu.dma_semaphore, #tpu.memory_space<semaphore_mem>>) src(%arg23 : memref<128x128xf32, #tpu.memory_space<vmem>>) dst(%dma_wait3A_379 : memref<10112x128xf32, #tpu.memory_space<vmem_shared>>)
        %dma_wait3A_380 = arith.constant 0 : i32
        %dma_wait3A_381 = tpu.memref_slice %arg3[%dma_wait3A_380] : memref<331776xi32, #tpu.memory_space<hbm>> -> memref<128xi32, #tpu.memory_space<hbm>>
        %dma_wait3A_382 = arith.constant 0 : i32
        %dma_wait3A_383 = tpu.memref_slice %arg3[%dma_wait3A_382] : memref<331776xi32, #tpu.memory_space<hbm>> -> memref<128xi32, #tpu.memory_space<hbm>>
        tpu.wait_dma2 semaphore(%arg26 : memref<!tpu.dma_semaphore, #tpu.memory_space<semaphore_mem>>) src(%dma_wait3A_383 : memref<128xi32, #tpu.memory_space<hbm>>) dst(%arg7 : memref<128xi32, #tpu.memory_space<vmem>>)
        %dma_wait3A_384 = arith.constant 0 : i32
        %dma_wait3A_385 = tpu.memref_slice %arg4[%dma_wait3A_384] : memref<331776xi32, #tpu.memory_space<hbm>> -> memref<128xi32, #tpu.memory_space<hbm>>
        %dma_wait3A_386 = arith.constant 0 : i32
        %dma_wait3A_387 = tpu.memref_slice %arg4[%dma_wait3A_386] : memref<331776xi32, #tpu.memory_space<hbm>> -> memref<128xi32, #tpu.memory_space<hbm>>
        tpu.wait_dma2 semaphore(%arg26 : memref<!tpu.dma_semaphore, #tpu.memory_space<semaphore_mem>>) src(%dma_wait3A_387 : memref<128xi32, #tpu.memory_space<hbm>>) dst(%arg15 : memref<128xi32, #tpu.memory_space<vmem>>)
        %dma_start3A_388 = arith.constant 0 : i32
        %dma_start3A_389 = arith.constant 0 : i32
        %dma_start3A_390 = tpu.memref_slice %arg2[%dma_start3A_388, %dma_start3A_389] : memref<4096x128xf32, #tpu.memory_space<hbm>> -> memref<4096x128xf32, #tpu.memory_space<hbm>>
        tpu.enqueue_indirect_dma source(%dma_start3A_390 : memref<4096x128xf32, #tpu.memory_space<hbm>>) target(%arg23 : memref<128x128xf32, #tpu.memory_space<vmem>>) offsets(%arg7 : memref<128xi32, #tpu.memory_space<vmem>>) semaphore(%arg34 : memref<!tpu.dma_semaphore, #tpu.memory_space<semaphore_mem>>)
      } else {
      }
      %ge3A_137 = arith.constant 8 : i32
      %ge3A_138 = arith.cmpi sge, %add3A_132, %ge3A_137 : i32
      %lt3A_139 = arith.constant 81 : i32
      %lt3A_140 = arith.cmpi slt, %add3A_132, %lt3A_139 : i32
      %and3A_141 = arith.andi %ge3A_138, %lt3A_140 : i1
      %convert_element_type3A_142 = arith.extui %and3A_141 : i1 to i32
      %cond3A_143 = arith.constant 0 : i32
      %cond3A_144 = arith.cmpi ne, %convert_element_type3A_142, %cond3A_143 : i32
      scf.if %cond3A_144 {
        %mul3A_377 = arith.constant 81 : i32
        %mul3A_378 = arith.muli %add3A, %mul3A_377 : i32
        %add3A_379 = arith.addi %mul3A_378, %add3A_132 : i32
        %mul3A_380 = arith.constant 128 : i32
        %mul3A_381 = arith.muli %add3A_379, %mul3A_380 : i32
        %multiple_of3A_382 = tpu.assume_multiple %mul3A_381, 128 : i32
        %dma_start3A_383 = tpu.memref_slice %arg3[%multiple_of3A_382] : memref<331776xi32, #tpu.memory_space<hbm>> -> memref<128xi32, #tpu.memory_space<hbm>>
        %dma_start3A_384 = tpu.memref_slice %arg3[%multiple_of3A_382] : memref<331776xi32, #tpu.memory_space<hbm>> -> memref<128xi32, #tpu.memory_space<hbm>>
        tpu.enqueue_dma source(%dma_start3A_384 : memref<128xi32, #tpu.memory_space<hbm>>) target(%arg13 : memref<128xi32, #tpu.memory_space<vmem>>) target_semaphore(%arg32 : memref<!tpu.dma_semaphore, #tpu.memory_space<semaphore_mem>>)
        %dma_start3A_385 = tpu.memref_slice %arg4[%multiple_of3A_382] : memref<331776xi32, #tpu.memory_space<hbm>> -> memref<128xi32, #tpu.memory_space<hbm>>
        %dma_start3A_386 = tpu.memref_slice %arg4[%multiple_of3A_382] : memref<331776xi32, #tpu.memory_space<hbm>> -> memref<128xi32, #tpu.memory_space<hbm>>
        tpu.enqueue_dma source(%dma_start3A_386 : memref<128xi32, #tpu.memory_space<hbm>>) target(%arg21 : memref<128xi32, #tpu.memory_space<vmem>>) target_semaphore(%arg32 : memref<!tpu.dma_semaphore, #tpu.memory_space<semaphore_mem>>)
      } else {
      }
      %ge3A_145 = arith.constant 0 : i32
      %ge3A_146 = arith.cmpi sge, %sub3A_133, %ge3A_145 : i32
      %lt3A_147 = arith.constant 81 : i32
      %lt3A_148 = arith.cmpi slt, %sub3A_133, %lt3A_147 : i32
      %and3A_149 = arith.andi %ge3A_146, %lt3A_148 : i1
      %convert_element_type3A_150 = arith.extui %and3A_149 : i1 to i32
      %cond3A_151 = arith.constant 0 : i32
      %cond3A_152 = arith.cmpi ne, %convert_element_type3A_150, %cond3A_151 : i32
      scf.if %cond3A_152 {
        %dma_wait3A_377 = arith.constant 0 : i32
        %dma_wait3A_378 = arith.constant 0 : i32
        %dma_wait3A_379 = tpu.memref_slice %arg2[%dma_wait3A_377, %dma_wait3A_378] : memref<4096x128xf32, #tpu.memory_space<hbm>> -> memref<4096x128xf32, #tpu.memory_space<hbm>>
        tpu.wait_indirect_dma semaphore(%arg35 : memref<!tpu.dma_semaphore, #tpu.memory_space<semaphore_mem>>) src(%dma_wait3A_379 : memref<4096x128xf32, #tpu.memory_space<hbm>>) dst(%arg24 : memref<128x128xf32, #tpu.memory_space<vmem>>)
        %dma_start3A_380 = arith.constant 0 : i32
        %dma_start3A_381 = arith.constant 0 : i32
        %dma_start3A_382 = tpu.memref_slice %arg25[%dma_start3A_380, %dma_start3A_381] : memref<10112x128xf32, #tpu.memory_space<vmem_shared>> -> memref<10112x128xf32, #tpu.memory_space<vmem_shared>>
        tpu.enqueue_indirect_dma source(%arg24 : memref<128x128xf32, #tpu.memory_space<vmem>>) target(%dma_start3A_382 : memref<10112x128xf32, #tpu.memory_space<vmem_shared>>) offsets(%arg22 : memref<128xi32, #tpu.memory_space<vmem>>) semaphore(%arg37 : memref<!tpu.dma_semaphore, #tpu.memory_space<semaphore_mem>>) {add = true}
      } else {
      }
      %mul3A_153 = arith.constant 8 : i32
      %mul3A_154 = arith.muli %scan3A_126, %mul3A_153 : i32
      %add3A_155 = arith.constant 1 : i32
      %add3A_156 = arith.addi %mul3A_154, %add3A_155 : i32
      %add3A_157 = arith.constant 6 : i32
      %add3A_158 = arith.addi %add3A_156, %add3A_157 : i32
      %sub3A_159 = arith.constant 1 : i32
      %sub3A_160 = arith.subi %add3A_156, %sub3A_159 : i32
      %ge3A_161 = arith.constant 2 : i32
      %ge3A_162 = arith.cmpi sge, %add3A_156, %ge3A_161 : i32
      %lt3A_163 = arith.constant 81 : i32
      %lt3A_164 = arith.cmpi slt, %add3A_156, %lt3A_163 : i32
      %and3A_165 = arith.andi %ge3A_162, %lt3A_164 : i1
      %convert_element_type3A_166 = arith.extui %and3A_165 : i1 to i32
      %cond3A_167 = arith.constant 0 : i32
      %cond3A_168 = arith.cmpi ne, %convert_element_type3A_166, %cond3A_167 : i32
      scf.if %cond3A_168 {
        %dma_wait3A_377 = arith.constant 0 : i32
        %dma_wait3A_378 = arith.constant 0 : i32
        %dma_wait3A_379 = tpu.memref_slice %arg25[%dma_wait3A_377, %dma_wait3A_378] : memref<10112x128xf32, #tpu.memory_space<vmem_shared>> -> memref<10112x128xf32, #tpu.memory_space<vmem_shared>>
        tpu.wait_indirect_dma semaphore(%arg37 : memref<!tpu.dma_semaphore, #tpu.memory_space<semaphore_mem>>) src(%arg24 : memref<128x128xf32, #tpu.memory_space<vmem>>) dst(%dma_wait3A_379 : memref<10112x128xf32, #tpu.memory_space<vmem_shared>>)
        %dma_wait3A_380 = arith.constant 0 : i32
        %dma_wait3A_381 = tpu.memref_slice %arg3[%dma_wait3A_380] : memref<331776xi32, #tpu.memory_space<hbm>> -> memref<128xi32, #tpu.memory_space<hbm>>
        %dma_wait3A_382 = arith.constant 0 : i32
        %dma_wait3A_383 = tpu.memref_slice %arg3[%dma_wait3A_382] : memref<331776xi32, #tpu.memory_space<hbm>> -> memref<128xi32, #tpu.memory_space<hbm>>
        tpu.wait_dma2 semaphore(%arg27 : memref<!tpu.dma_semaphore, #tpu.memory_space<semaphore_mem>>) src(%dma_wait3A_383 : memref<128xi32, #tpu.memory_space<hbm>>) dst(%arg8 : memref<128xi32, #tpu.memory_space<vmem>>)
        %dma_wait3A_384 = arith.constant 0 : i32
        %dma_wait3A_385 = tpu.memref_slice %arg4[%dma_wait3A_384] : memref<331776xi32, #tpu.memory_space<hbm>> -> memref<128xi32, #tpu.memory_space<hbm>>
        %dma_wait3A_386 = arith.constant 0 : i32
        %dma_wait3A_387 = tpu.memref_slice %arg4[%dma_wait3A_386] : memref<331776xi32, #tpu.memory_space<hbm>> -> memref<128xi32, #tpu.memory_space<hbm>>
        tpu.wait_dma2 semaphore(%arg27 : memref<!tpu.dma_semaphore, #tpu.memory_space<semaphore_mem>>) src(%dma_wait3A_387 : memref<128xi32, #tpu.memory_space<hbm>>) dst(%arg16 : memref<128xi32, #tpu.memory_space<vmem>>)
        %dma_start3A_388 = arith.constant 0 : i32
        %dma_start3A_389 = arith.constant 0 : i32
        %dma_start3A_390 = tpu.memref_slice %arg2[%dma_start3A_388, %dma_start3A_389] : memref<4096x128xf32, #tpu.memory_space<hbm>> -> memref<4096x128xf32, #tpu.memory_space<hbm>>
        tpu.enqueue_indirect_dma source(%dma_start3A_390 : memref<4096x128xf32, #tpu.memory_space<hbm>>) target(%arg24 : memref<128x128xf32, #tpu.memory_space<vmem>>) offsets(%arg8 : memref<128xi32, #tpu.memory_space<vmem>>) semaphore(%arg35 : memref<!tpu.dma_semaphore, #tpu.memory_space<semaphore_mem>>)
      } else {
      }
      %ge3A_169 = arith.constant 8 : i32
      %ge3A_170 = arith.cmpi sge, %add3A_158, %ge3A_169 : i32
      %lt3A_171 = arith.constant 81 : i32
      %lt3A_172 = arith.cmpi slt, %add3A_158, %lt3A_171 : i32
      %and3A_173 = arith.andi %ge3A_170, %lt3A_172 : i1
      %convert_element_type3A_174 = arith.extui %and3A_173 : i1 to i32
      %cond3A_175 = arith.constant 0 : i32
      %cond3A_176 = arith.cmpi ne, %convert_element_type3A_174, %cond3A_175 : i32
      scf.if %cond3A_176 {
        %mul3A_377 = arith.constant 81 : i32
        %mul3A_378 = arith.muli %add3A, %mul3A_377 : i32
        %add3A_379 = arith.addi %mul3A_378, %add3A_158 : i32
        %mul3A_380 = arith.constant 128 : i32
        %mul3A_381 = arith.muli %add3A_379, %mul3A_380 : i32
        %multiple_of3A_382 = tpu.assume_multiple %mul3A_381, 128 : i32
        %dma_start3A_383 = tpu.memref_slice %arg3[%multiple_of3A_382] : memref<331776xi32, #tpu.memory_space<hbm>> -> memref<128xi32, #tpu.memory_space<hbm>>
        %dma_start3A_384 = tpu.memref_slice %arg3[%multiple_of3A_382] : memref<331776xi32, #tpu.memory_space<hbm>> -> memref<128xi32, #tpu.memory_space<hbm>>
        tpu.enqueue_dma source(%dma_start3A_384 : memref<128xi32, #tpu.memory_space<hbm>>) target(%arg14 : memref<128xi32, #tpu.memory_space<vmem>>) target_semaphore(%arg33 : memref<!tpu.dma_semaphore, #tpu.memory_space<semaphore_mem>>)
        %dma_start3A_385 = tpu.memref_slice %arg4[%multiple_of3A_382] : memref<331776xi32, #tpu.memory_space<hbm>> -> memref<128xi32, #tpu.memory_space<hbm>>
        %dma_start3A_386 = tpu.memref_slice %arg4[%multiple_of3A_382] : memref<331776xi32, #tpu.memory_space<hbm>> -> memref<128xi32, #tpu.memory_space<hbm>>
        tpu.enqueue_dma source(%dma_start3A_386 : memref<128xi32, #tpu.memory_space<hbm>>) target(%arg22 : memref<128xi32, #tpu.memory_space<vmem>>) target_semaphore(%arg33 : memref<!tpu.dma_semaphore, #tpu.memory_space<semaphore_mem>>)
      } else {
      }
      %ge3A_177 = arith.constant 0 : i32
      %ge3A_178 = arith.cmpi sge, %sub3A_160, %ge3A_177 : i32
      %lt3A_179 = arith.constant 81 : i32
      %lt3A_180 = arith.cmpi slt, %sub3A_160, %lt3A_179 : i32
      %and3A_181 = arith.andi %ge3A_178, %lt3A_180 : i1
      %convert_element_type3A_182 = arith.extui %and3A_181 : i1 to i32
      %cond3A_183 = arith.constant 0 : i32
      %cond3A_184 = arith.cmpi ne, %convert_element_type3A_182, %cond3A_183 : i32
      scf.if %cond3A_184 {
        %dma_wait3A_377 = arith.constant 0 : i32
        %dma_wait3A_378 = arith.constant 0 : i32
        %dma_wait3A_379 = tpu.memref_slice %arg2[%dma_wait3A_377, %dma_wait3A_378] : memref<4096x128xf32, #tpu.memory_space<hbm>> -> memref<4096x128xf32, #tpu.memory_space<hbm>>
        tpu.wait_indirect_dma semaphore(%arg34 : memref<!tpu.dma_semaphore, #tpu.memory_space<semaphore_mem>>) src(%dma_wait3A_379 : memref<4096x128xf32, #tpu.memory_space<hbm>>) dst(%arg23 : memref<128x128xf32, #tpu.memory_space<vmem>>)
        %dma_start3A_380 = arith.constant 0 : i32
        %dma_start3A_381 = arith.constant 0 : i32
        %dma_start3A_382 = tpu.memref_slice %arg25[%dma_start3A_380, %dma_start3A_381] : memref<10112x128xf32, #tpu.memory_space<vmem_shared>> -> memref<10112x128xf32, #tpu.memory_space<vmem_shared>>
        tpu.enqueue_indirect_dma source(%arg23 : memref<128x128xf32, #tpu.memory_space<vmem>>) target(%dma_start3A_382 : memref<10112x128xf32, #tpu.memory_space<vmem_shared>>) offsets(%arg15 : memref<128xi32, #tpu.memory_space<vmem>>) semaphore(%arg36 : memref<!tpu.dma_semaphore, #tpu.memory_space<semaphore_mem>>) {add = true}
      } else {
      }
      %mul3A_185 = arith.constant 8 : i32
      %mul3A_186 = arith.muli %scan3A_126, %mul3A_185 : i32
      %add3A_187 = arith.constant 2 : i32
      %add3A_188 = arith.addi %mul3A_186, %add3A_187 : i32
      %add3A_189 = arith.constant 6 : i32
      %add3A_190 = arith.addi %add3A_188, %add3A_189 : i32
      %sub3A_191 = arith.constant 1 : i32
      %sub3A_192 = arith.subi %add3A_188, %sub3A_191 : i32
      %ge3A_193 = arith.constant 2 : i32
      %ge3A_194 = arith.cmpi sge, %add3A_188, %ge3A_193 : i32
      %lt3A_195 = arith.constant 81 : i32
      %lt3A_196 = arith.cmpi slt, %add3A_188, %lt3A_195 : i32
      %and3A_197 = arith.andi %ge3A_194, %lt3A_196 : i1
      %convert_element_type3A_198 = arith.extui %and3A_197 : i1 to i32
      %cond3A_199 = arith.constant 0 : i32
      %cond3A_200 = arith.cmpi ne, %convert_element_type3A_198, %cond3A_199 : i32
      scf.if %cond3A_200 {
        %dma_wait3A_377 = arith.constant 0 : i32
        %dma_wait3A_378 = arith.constant 0 : i32
        %dma_wait3A_379 = tpu.memref_slice %arg25[%dma_wait3A_377, %dma_wait3A_378] : memref<10112x128xf32, #tpu.memory_space<vmem_shared>> -> memref<10112x128xf32, #tpu.memory_space<vmem_shared>>
        tpu.wait_indirect_dma semaphore(%arg36 : memref<!tpu.dma_semaphore, #tpu.memory_space<semaphore_mem>>) src(%arg23 : memref<128x128xf32, #tpu.memory_space<vmem>>) dst(%dma_wait3A_379 : memref<10112x128xf32, #tpu.memory_space<vmem_shared>>)
        %dma_wait3A_380 = arith.constant 0 : i32
        %dma_wait3A_381 = tpu.memref_slice %arg3[%dma_wait3A_380] : memref<331776xi32, #tpu.memory_space<hbm>> -> memref<128xi32, #tpu.memory_space<hbm>>
        %dma_wait3A_382 = arith.constant 0 : i32
        %dma_wait3A_383 = tpu.memref_slice %arg3[%dma_wait3A_382] : memref<331776xi32, #tpu.memory_space<hbm>> -> memref<128xi32, #tpu.memory_space<hbm>>
        tpu.wait_dma2 semaphore(%arg28 : memref<!tpu.dma_semaphore, #tpu.memory_space<semaphore_mem>>) src(%dma_wait3A_383 : memref<128xi32, #tpu.memory_space<hbm>>) dst(%arg9 : memref<128xi32, #tpu.memory_space<vmem>>)
        %dma_wait3A_384 = arith.constant 0 : i32
        %dma_wait3A_385 = tpu.memref_slice %arg4[%dma_wait3A_384] : memref<331776xi32, #tpu.memory_space<hbm>> -> memref<128xi32, #tpu.memory_space<hbm>>
        %dma_wait3A_386 = arith.constant 0 : i32
        %dma_wait3A_387 = tpu.memref_slice %arg4[%dma_wait3A_386] : memref<331776xi32, #tpu.memory_space<hbm>> -> memref<128xi32, #tpu.memory_space<hbm>>
        tpu.wait_dma2 semaphore(%arg28 : memref<!tpu.dma_semaphore, #tpu.memory_space<semaphore_mem>>) src(%dma_wait3A_387 : memref<128xi32, #tpu.memory_space<hbm>>) dst(%arg17 : memref<128xi32, #tpu.memory_space<vmem>>)
        %dma_start3A_388 = arith.constant 0 : i32
        %dma_start3A_389 = arith.constant 0 : i32
        %dma_start3A_390 = tpu.memref_slice %arg2[%dma_start3A_388, %dma_start3A_389] : memref<4096x128xf32, #tpu.memory_space<hbm>> -> memref<4096x128xf32, #tpu.memory_space<hbm>>
        tpu.enqueue_indirect_dma source(%dma_start3A_390 : memref<4096x128xf32, #tpu.memory_space<hbm>>) target(%arg23 : memref<128x128xf32, #tpu.memory_space<vmem>>) offsets(%arg9 : memref<128xi32, #tpu.memory_space<vmem>>) semaphore(%arg34 : memref<!tpu.dma_semaphore, #tpu.memory_space<semaphore_mem>>)
      } else {
      }
      %ge3A_201 = arith.constant 8 : i32
      %ge3A_202 = arith.cmpi sge, %add3A_190, %ge3A_201 : i32
      %lt3A_203 = arith.constant 81 : i32
      %lt3A_204 = arith.cmpi slt, %add3A_190, %lt3A_203 : i32
      %and3A_205 = arith.andi %ge3A_202, %lt3A_204 : i1
      %convert_element_type3A_206 = arith.extui %and3A_205 : i1 to i32
      %cond3A_207 = arith.constant 0 : i32
      %cond3A_208 = arith.cmpi ne, %convert_element_type3A_206, %cond3A_207 : i32
      scf.if %cond3A_208 {
        %mul3A_377 = arith.constant 81 : i32
        %mul3A_378 = arith.muli %add3A, %mul3A_377 : i32
        %add3A_379 = arith.addi %mul3A_378, %add3A_190 : i32
        %mul3A_380 = arith.constant 128 : i32
        %mul3A_381 = arith.muli %add3A_379, %mul3A_380 : i32
        %multiple_of3A_382 = tpu.assume_multiple %mul3A_381, 128 : i32
        %dma_start3A_383 = tpu.memref_slice %arg3[%multiple_of3A_382] : memref<331776xi32, #tpu.memory_space<hbm>> -> memref<128xi32, #tpu.memory_space<hbm>>
        %dma_start3A_384 = tpu.memref_slice %arg3[%multiple_of3A_382] : memref<331776xi32, #tpu.memory_space<hbm>> -> memref<128xi32, #tpu.memory_space<hbm>>
        tpu.enqueue_dma source(%dma_start3A_384 : memref<128xi32, #tpu.memory_space<hbm>>) target(%arg7 : memref<128xi32, #tpu.memory_space<vmem>>) target_semaphore(%arg26 : memref<!tpu.dma_semaphore, #tpu.memory_space<semaphore_mem>>)
        %dma_start3A_385 = tpu.memref_slice %arg4[%multiple_of3A_382] : memref<331776xi32, #tpu.memory_space<hbm>> -> memref<128xi32, #tpu.memory_space<hbm>>
        %dma_start3A_386 = tpu.memref_slice %arg4[%multiple_of3A_382] : memref<331776xi32, #tpu.memory_space<hbm>> -> memref<128xi32, #tpu.memory_space<hbm>>
        tpu.enqueue_dma source(%dma_start3A_386 : memref<128xi32, #tpu.memory_space<hbm>>) target(%arg15 : memref<128xi32, #tpu.memory_space<vmem>>) target_semaphore(%arg26 : memref<!tpu.dma_semaphore, #tpu.memory_space<semaphore_mem>>)
      } else {
      }
      %ge3A_209 = arith.constant 0 : i32
      %ge3A_210 = arith.cmpi sge, %sub3A_192, %ge3A_209 : i32
      %lt3A_211 = arith.constant 81 : i32
      %lt3A_212 = arith.cmpi slt, %sub3A_192, %lt3A_211 : i32
      %and3A_213 = arith.andi %ge3A_210, %lt3A_212 : i1
      %convert_element_type3A_214 = arith.extui %and3A_213 : i1 to i32
      %cond3A_215 = arith.constant 0 : i32
      %cond3A_216 = arith.cmpi ne, %convert_element_type3A_214, %cond3A_215 : i32
      scf.if %cond3A_216 {
        %dma_wait3A_377 = arith.constant 0 : i32
        %dma_wait3A_378 = arith.constant 0 : i32
        %dma_wait3A_379 = tpu.memref_slice %arg2[%dma_wait3A_377, %dma_wait3A_378] : memref<4096x128xf32, #tpu.memory_space<hbm>> -> memref<4096x128xf32, #tpu.memory_space<hbm>>
        tpu.wait_indirect_dma semaphore(%arg35 : memref<!tpu.dma_semaphore, #tpu.memory_space<semaphore_mem>>) src(%dma_wait3A_379 : memref<4096x128xf32, #tpu.memory_space<hbm>>) dst(%arg24 : memref<128x128xf32, #tpu.memory_space<vmem>>)
        %dma_start3A_380 = arith.constant 0 : i32
        %dma_start3A_381 = arith.constant 0 : i32
        %dma_start3A_382 = tpu.memref_slice %arg25[%dma_start3A_380, %dma_start3A_381] : memref<10112x128xf32, #tpu.memory_space<vmem_shared>> -> memref<10112x128xf32, #tpu.memory_space<vmem_shared>>
        tpu.enqueue_indirect_dma source(%arg24 : memref<128x128xf32, #tpu.memory_space<vmem>>) target(%dma_start3A_382 : memref<10112x128xf32, #tpu.memory_space<vmem_shared>>) offsets(%arg16 : memref<128xi32, #tpu.memory_space<vmem>>) semaphore(%arg37 : memref<!tpu.dma_semaphore, #tpu.memory_space<semaphore_mem>>) {add = true}
      } else {
      }
      %mul3A_217 = arith.constant 8 : i32
      %mul3A_218 = arith.muli %scan3A_126, %mul3A_217 : i32
      %add3A_219 = arith.constant 3 : i32
      %add3A_220 = arith.addi %mul3A_218, %add3A_219 : i32
      %add3A_221 = arith.constant 6 : i32
      %add3A_222 = arith.addi %add3A_220, %add3A_221 : i32
      %sub3A_223 = arith.constant 1 : i32
      %sub3A_224 = arith.subi %add3A_220, %sub3A_223 : i32
      %ge3A_225 = arith.constant 2 : i32
      %ge3A_226 = arith.cmpi sge, %add3A_220, %ge3A_225 : i32
      %lt3A_227 = arith.constant 81 : i32
      %lt3A_228 = arith.cmpi slt, %add3A_220, %lt3A_227 : i32
      %and3A_229 = arith.andi %ge3A_226, %lt3A_228 : i1
      %convert_element_type3A_230 = arith.extui %and3A_229 : i1 to i32
      %cond3A_231 = arith.constant 0 : i32
      %cond3A_232 = arith.cmpi ne, %convert_element_type3A_230, %cond3A_231 : i32
      scf.if %cond3A_232 {
        %dma_wait3A_377 = arith.constant 0 : i32
        %dma_wait3A_378 = arith.constant 0 : i32
        %dma_wait3A_379 = tpu.memref_slice %arg25[%dma_wait3A_377, %dma_wait3A_378] : memref<10112x128xf32, #tpu.memory_space<vmem_shared>> -> memref<10112x128xf32, #tpu.memory_space<vmem_shared>>
        tpu.wait_indirect_dma semaphore(%arg37 : memref<!tpu.dma_semaphore, #tpu.memory_space<semaphore_mem>>) src(%arg24 : memref<128x128xf32, #tpu.memory_space<vmem>>) dst(%dma_wait3A_379 : memref<10112x128xf32, #tpu.memory_space<vmem_shared>>)
        %dma_wait3A_380 = arith.constant 0 : i32
        %dma_wait3A_381 = tpu.memref_slice %arg3[%dma_wait3A_380] : memref<331776xi32, #tpu.memory_space<hbm>> -> memref<128xi32, #tpu.memory_space<hbm>>
        %dma_wait3A_382 = arith.constant 0 : i32
        %dma_wait3A_383 = tpu.memref_slice %arg3[%dma_wait3A_382] : memref<331776xi32, #tpu.memory_space<hbm>> -> memref<128xi32, #tpu.memory_space<hbm>>
        tpu.wait_dma2 semaphore(%arg29 : memref<!tpu.dma_semaphore, #tpu.memory_space<semaphore_mem>>) src(%dma_wait3A_383 : memref<128xi32, #tpu.memory_space<hbm>>) dst(%arg10 : memref<128xi32, #tpu.memory_space<vmem>>)
        %dma_wait3A_384 = arith.constant 0 : i32
        %dma_wait3A_385 = tpu.memref_slice %arg4[%dma_wait3A_384] : memref<331776xi32, #tpu.memory_space<hbm>> -> memref<128xi32, #tpu.memory_space<hbm>>
        %dma_wait3A_386 = arith.constant 0 : i32
        %dma_wait3A_387 = tpu.memref_slice %arg4[%dma_wait3A_386] : memref<331776xi32, #tpu.memory_space<hbm>> -> memref<128xi32, #tpu.memory_space<hbm>>
        tpu.wait_dma2 semaphore(%arg29 : memref<!tpu.dma_semaphore, #tpu.memory_space<semaphore_mem>>) src(%dma_wait3A_387 : memref<128xi32, #tpu.memory_space<hbm>>) dst(%arg18 : memref<128xi32, #tpu.memory_space<vmem>>)
        %dma_start3A_388 = arith.constant 0 : i32
        %dma_start3A_389 = arith.constant 0 : i32
        %dma_start3A_390 = tpu.memref_slice %arg2[%dma_start3A_388, %dma_start3A_389] : memref<4096x128xf32, #tpu.memory_space<hbm>> -> memref<4096x128xf32, #tpu.memory_space<hbm>>
        tpu.enqueue_indirect_dma source(%dma_start3A_390 : memref<4096x128xf32, #tpu.memory_space<hbm>>) target(%arg24 : memref<128x128xf32, #tpu.memory_space<vmem>>) offsets(%arg10 : memref<128xi32, #tpu.memory_space<vmem>>) semaphore(%arg35 : memref<!tpu.dma_semaphore, #tpu.memory_space<semaphore_mem>>)
      } else {
      }
      %ge3A_233 = arith.constant 8 : i32
      %ge3A_234 = arith.cmpi sge, %add3A_222, %ge3A_233 : i32
      %lt3A_235 = arith.constant 81 : i32
      %lt3A_236 = arith.cmpi slt, %add3A_222, %lt3A_235 : i32
      %and3A_237 = arith.andi %ge3A_234, %lt3A_236 : i1
      %convert_element_type3A_238 = arith.extui %and3A_237 : i1 to i32
      %cond3A_239 = arith.constant 0 : i32
      %cond3A_240 = arith.cmpi ne, %convert_element_type3A_238, %cond3A_239 : i32
      scf.if %cond3A_240 {
        %mul3A_377 = arith.constant 81 : i32
        %mul3A_378 = arith.muli %add3A, %mul3A_377 : i32
        %add3A_379 = arith.addi %mul3A_378, %add3A_222 : i32
        %mul3A_380 = arith.constant 128 : i32
        %mul3A_381 = arith.muli %add3A_379, %mul3A_380 : i32
        %multiple_of3A_382 = tpu.assume_multiple %mul3A_381, 128 : i32
        %dma_start3A_383 = tpu.memref_slice %arg3[%multiple_of3A_382] : memref<331776xi32, #tpu.memory_space<hbm>> -> memref<128xi32, #tpu.memory_space<hbm>>
        %dma_start3A_384 = tpu.memref_slice %arg3[%multiple_of3A_382] : memref<331776xi32, #tpu.memory_space<hbm>> -> memref<128xi32, #tpu.memory_space<hbm>>
        tpu.enqueue_dma source(%dma_start3A_384 : memref<128xi32, #tpu.memory_space<hbm>>) target(%arg8 : memref<128xi32, #tpu.memory_space<vmem>>) target_semaphore(%arg27 : memref<!tpu.dma_semaphore, #tpu.memory_space<semaphore_mem>>)
        %dma_start3A_385 = tpu.memref_slice %arg4[%multiple_of3A_382] : memref<331776xi32, #tpu.memory_space<hbm>> -> memref<128xi32, #tpu.memory_space<hbm>>
        %dma_start3A_386 = tpu.memref_slice %arg4[%multiple_of3A_382] : memref<331776xi32, #tpu.memory_space<hbm>> -> memref<128xi32, #tpu.memory_space<hbm>>
        tpu.enqueue_dma source(%dma_start3A_386 : memref<128xi32, #tpu.memory_space<hbm>>) target(%arg16 : memref<128xi32, #tpu.memory_space<vmem>>) target_semaphore(%arg27 : memref<!tpu.dma_semaphore, #tpu.memory_space<semaphore_mem>>)
      } else {
      }
      %ge3A_241 = arith.constant 0 : i32
      %ge3A_242 = arith.cmpi sge, %sub3A_224, %ge3A_241 : i32
      %lt3A_243 = arith.constant 81 : i32
      %lt3A_244 = arith.cmpi slt, %sub3A_224, %lt3A_243 : i32
      %and3A_245 = arith.andi %ge3A_242, %lt3A_244 : i1
      %convert_element_type3A_246 = arith.extui %and3A_245 : i1 to i32
      %cond3A_247 = arith.constant 0 : i32
      %cond3A_248 = arith.cmpi ne, %convert_element_type3A_246, %cond3A_247 : i32
      scf.if %cond3A_248 {
        %dma_wait3A_377 = arith.constant 0 : i32
        %dma_wait3A_378 = arith.constant 0 : i32
        %dma_wait3A_379 = tpu.memref_slice %arg2[%dma_wait3A_377, %dma_wait3A_378] : memref<4096x128xf32, #tpu.memory_space<hbm>> -> memref<4096x128xf32, #tpu.memory_space<hbm>>
        tpu.wait_indirect_dma semaphore(%arg34 : memref<!tpu.dma_semaphore, #tpu.memory_space<semaphore_mem>>) src(%dma_wait3A_379 : memref<4096x128xf32, #tpu.memory_space<hbm>>) dst(%arg23 : memref<128x128xf32, #tpu.memory_space<vmem>>)
        %dma_start3A_380 = arith.constant 0 : i32
        %dma_start3A_381 = arith.constant 0 : i32
        %dma_start3A_382 = tpu.memref_slice %arg25[%dma_start3A_380, %dma_start3A_381] : memref<10112x128xf32, #tpu.memory_space<vmem_shared>> -> memref<10112x128xf32, #tpu.memory_space<vmem_shared>>
        tpu.enqueue_indirect_dma source(%arg23 : memref<128x128xf32, #tpu.memory_space<vmem>>) target(%dma_start3A_382 : memref<10112x128xf32, #tpu.memory_space<vmem_shared>>) offsets(%arg17 : memref<128xi32, #tpu.memory_space<vmem>>) semaphore(%arg36 : memref<!tpu.dma_semaphore, #tpu.memory_space<semaphore_mem>>) {add = true}
      } else {
      }
      %mul3A_249 = arith.constant 8 : i32
      %mul3A_250 = arith.muli %scan3A_126, %mul3A_249 : i32
      %add3A_251 = arith.constant 4 : i32
      %add3A_252 = arith.addi %mul3A_250, %add3A_251 : i32
      %add3A_253 = arith.constant 6 : i32
      %add3A_254 = arith.addi %add3A_252, %add3A_253 : i32
      %sub3A_255 = arith.constant 1 : i32
      %sub3A_256 = arith.subi %add3A_252, %sub3A_255 : i32
      %ge3A_257 = arith.constant 2 : i32
      %ge3A_258 = arith.cmpi sge, %add3A_252, %ge3A_257 : i32
      %lt3A_259 = arith.constant 81 : i32
      %lt3A_260 = arith.cmpi slt, %add3A_252, %lt3A_259 : i32
      %and3A_261 = arith.andi %ge3A_258, %lt3A_260 : i1
      %convert_element_type3A_262 = arith.extui %and3A_261 : i1 to i32
      %cond3A_263 = arith.constant 0 : i32
      %cond3A_264 = arith.cmpi ne, %convert_element_type3A_262, %cond3A_263 : i32
      scf.if %cond3A_264 {
        %dma_wait3A_377 = arith.constant 0 : i32
        %dma_wait3A_378 = arith.constant 0 : i32
        %dma_wait3A_379 = tpu.memref_slice %arg25[%dma_wait3A_377, %dma_wait3A_378] : memref<10112x128xf32, #tpu.memory_space<vmem_shared>> -> memref<10112x128xf32, #tpu.memory_space<vmem_shared>>
        tpu.wait_indirect_dma semaphore(%arg36 : memref<!tpu.dma_semaphore, #tpu.memory_space<semaphore_mem>>) src(%arg23 : memref<128x128xf32, #tpu.memory_space<vmem>>) dst(%dma_wait3A_379 : memref<10112x128xf32, #tpu.memory_space<vmem_shared>>)
        %dma_wait3A_380 = arith.constant 0 : i32
        %dma_wait3A_381 = tpu.memref_slice %arg3[%dma_wait3A_380] : memref<331776xi32, #tpu.memory_space<hbm>> -> memref<128xi32, #tpu.memory_space<hbm>>
        %dma_wait3A_382 = arith.constant 0 : i32
        %dma_wait3A_383 = tpu.memref_slice %arg3[%dma_wait3A_382] : memref<331776xi32, #tpu.memory_space<hbm>> -> memref<128xi32, #tpu.memory_space<hbm>>
        tpu.wait_dma2 semaphore(%arg30 : memref<!tpu.dma_semaphore, #tpu.memory_space<semaphore_mem>>) src(%dma_wait3A_383 : memref<128xi32, #tpu.memory_space<hbm>>) dst(%arg11 : memref<128xi32, #tpu.memory_space<vmem>>)
        %dma_wait3A_384 = arith.constant 0 : i32
        %dma_wait3A_385 = tpu.memref_slice %arg4[%dma_wait3A_384] : memref<331776xi32, #tpu.memory_space<hbm>> -> memref<128xi32, #tpu.memory_space<hbm>>
        %dma_wait3A_386 = arith.constant 0 : i32
        %dma_wait3A_387 = tpu.memref_slice %arg4[%dma_wait3A_386] : memref<331776xi32, #tpu.memory_space<hbm>> -> memref<128xi32, #tpu.memory_space<hbm>>
        tpu.wait_dma2 semaphore(%arg30 : memref<!tpu.dma_semaphore, #tpu.memory_space<semaphore_mem>>) src(%dma_wait3A_387 : memref<128xi32, #tpu.memory_space<hbm>>) dst(%arg19 : memref<128xi32, #tpu.memory_space<vmem>>)
        %dma_start3A_388 = arith.constant 0 : i32
        %dma_start3A_389 = arith.constant 0 : i32
        %dma_start3A_390 = tpu.memref_slice %arg2[%dma_start3A_388, %dma_start3A_389] : memref<4096x128xf32, #tpu.memory_space<hbm>> -> memref<4096x128xf32, #tpu.memory_space<hbm>>
        tpu.enqueue_indirect_dma source(%dma_start3A_390 : memref<4096x128xf32, #tpu.memory_space<hbm>>) target(%arg23 : memref<128x128xf32, #tpu.memory_space<vmem>>) offsets(%arg11 : memref<128xi32, #tpu.memory_space<vmem>>) semaphore(%arg34 : memref<!tpu.dma_semaphore, #tpu.memory_space<semaphore_mem>>)
      } else {
      }
      %ge3A_265 = arith.constant 8 : i32
      %ge3A_266 = arith.cmpi sge, %add3A_254, %ge3A_265 : i32
      %lt3A_267 = arith.constant 81 : i32
      %lt3A_268 = arith.cmpi slt, %add3A_254, %lt3A_267 : i32
      %and3A_269 = arith.andi %ge3A_266, %lt3A_268 : i1
      %convert_element_type3A_270 = arith.extui %and3A_269 : i1 to i32
      %cond3A_271 = arith.constant 0 : i32
      %cond3A_272 = arith.cmpi ne, %convert_element_type3A_270, %cond3A_271 : i32
      scf.if %cond3A_272 {
        %mul3A_377 = arith.constant 81 : i32
        %mul3A_378 = arith.muli %add3A, %mul3A_377 : i32
        %add3A_379 = arith.addi %mul3A_378, %add3A_254 : i32
        %mul3A_380 = arith.constant 128 : i32
        %mul3A_381 = arith.muli %add3A_379, %mul3A_380 : i32
        %multiple_of3A_382 = tpu.assume_multiple %mul3A_381, 128 : i32
        %dma_start3A_383 = tpu.memref_slice %arg3[%multiple_of3A_382] : memref<331776xi32, #tpu.memory_space<hbm>> -> memref<128xi32, #tpu.memory_space<hbm>>
        %dma_start3A_384 = tpu.memref_slice %arg3[%multiple_of3A_382] : memref<331776xi32, #tpu.memory_space<hbm>> -> memref<128xi32, #tpu.memory_space<hbm>>
        tpu.enqueue_dma source(%dma_start3A_384 : memref<128xi32, #tpu.memory_space<hbm>>) target(%arg9 : memref<128xi32, #tpu.memory_space<vmem>>) target_semaphore(%arg28 : memref<!tpu.dma_semaphore, #tpu.memory_space<semaphore_mem>>)
        %dma_start3A_385 = tpu.memref_slice %arg4[%multiple_of3A_382] : memref<331776xi32, #tpu.memory_space<hbm>> -> memref<128xi32, #tpu.memory_space<hbm>>
        %dma_start3A_386 = tpu.memref_slice %arg4[%multiple_of3A_382] : memref<331776xi32, #tpu.memory_space<hbm>> -> memref<128xi32, #tpu.memory_space<hbm>>
        tpu.enqueue_dma source(%dma_start3A_386 : memref<128xi32, #tpu.memory_space<hbm>>) target(%arg17 : memref<128xi32, #tpu.memory_space<vmem>>) target_semaphore(%arg28 : memref<!tpu.dma_semaphore, #tpu.memory_space<semaphore_mem>>)
      } else {
      }
      %ge3A_273 = arith.constant 0 : i32
      %ge3A_274 = arith.cmpi sge, %sub3A_256, %ge3A_273 : i32
      %lt3A_275 = arith.constant 81 : i32
      %lt3A_276 = arith.cmpi slt, %sub3A_256, %lt3A_275 : i32
      %and3A_277 = arith.andi %ge3A_274, %lt3A_276 : i1
      %convert_element_type3A_278 = arith.extui %and3A_277 : i1 to i32
      %cond3A_279 = arith.constant 0 : i32
      %cond3A_280 = arith.cmpi ne, %convert_element_type3A_278, %cond3A_279 : i32
      scf.if %cond3A_280 {
        %dma_wait3A_377 = arith.constant 0 : i32
        %dma_wait3A_378 = arith.constant 0 : i32
        %dma_wait3A_379 = tpu.memref_slice %arg2[%dma_wait3A_377, %dma_wait3A_378] : memref<4096x128xf32, #tpu.memory_space<hbm>> -> memref<4096x128xf32, #tpu.memory_space<hbm>>
        tpu.wait_indirect_dma semaphore(%arg35 : memref<!tpu.dma_semaphore, #tpu.memory_space<semaphore_mem>>) src(%dma_wait3A_379 : memref<4096x128xf32, #tpu.memory_space<hbm>>) dst(%arg24 : memref<128x128xf32, #tpu.memory_space<vmem>>)
        %dma_start3A_380 = arith.constant 0 : i32
        %dma_start3A_381 = arith.constant 0 : i32
        %dma_start3A_382 = tpu.memref_slice %arg25[%dma_start3A_380, %dma_start3A_381] : memref<10112x128xf32, #tpu.memory_space<vmem_shared>> -> memref<10112x128xf32, #tpu.memory_space<vmem_shared>>
        tpu.enqueue_indirect_dma source(%arg24 : memref<128x128xf32, #tpu.memory_space<vmem>>) target(%dma_start3A_382 : memref<10112x128xf32, #tpu.memory_space<vmem_shared>>) offsets(%arg18 : memref<128xi32, #tpu.memory_space<vmem>>) semaphore(%arg37 : memref<!tpu.dma_semaphore, #tpu.memory_space<semaphore_mem>>) {add = true}
      } else {
      }
      %mul3A_281 = arith.constant 8 : i32
      %mul3A_282 = arith.muli %scan3A_126, %mul3A_281 : i32
      %add3A_283 = arith.constant 5 : i32
      %add3A_284 = arith.addi %mul3A_282, %add3A_283 : i32
      %add3A_285 = arith.constant 6 : i32
      %add3A_286 = arith.addi %add3A_284, %add3A_285 : i32
      %sub3A_287 = arith.constant 1 : i32
      %sub3A_288 = arith.subi %add3A_284, %sub3A_287 : i32
      %ge3A_289 = arith.constant 2 : i32
      %ge3A_290 = arith.cmpi sge, %add3A_284, %ge3A_289 : i32
      %lt3A_291 = arith.constant 81 : i32
      %lt3A_292 = arith.cmpi slt, %add3A_284, %lt3A_291 : i32
      %and3A_293 = arith.andi %ge3A_290, %lt3A_292 : i1
      %convert_element_type3A_294 = arith.extui %and3A_293 : i1 to i32
      %cond3A_295 = arith.constant 0 : i32
      %cond3A_296 = arith.cmpi ne, %convert_element_type3A_294, %cond3A_295 : i32
      scf.if %cond3A_296 {
        %dma_wait3A_377 = arith.constant 0 : i32
        %dma_wait3A_378 = arith.constant 0 : i32
        %dma_wait3A_379 = tpu.memref_slice %arg25[%dma_wait3A_377, %dma_wait3A_378] : memref<10112x128xf32, #tpu.memory_space<vmem_shared>> -> memref<10112x128xf32, #tpu.memory_space<vmem_shared>>
        tpu.wait_indirect_dma semaphore(%arg37 : memref<!tpu.dma_semaphore, #tpu.memory_space<semaphore_mem>>) src(%arg24 : memref<128x128xf32, #tpu.memory_space<vmem>>) dst(%dma_wait3A_379 : memref<10112x128xf32, #tpu.memory_space<vmem_shared>>)
        %dma_wait3A_380 = arith.constant 0 : i32
        %dma_wait3A_381 = tpu.memref_slice %arg3[%dma_wait3A_380] : memref<331776xi32, #tpu.memory_space<hbm>> -> memref<128xi32, #tpu.memory_space<hbm>>
        %dma_wait3A_382 = arith.constant 0 : i32
        %dma_wait3A_383 = tpu.memref_slice %arg3[%dma_wait3A_382] : memref<331776xi32, #tpu.memory_space<hbm>> -> memref<128xi32, #tpu.memory_space<hbm>>
        tpu.wait_dma2 semaphore(%arg31 : memref<!tpu.dma_semaphore, #tpu.memory_space<semaphore_mem>>) src(%dma_wait3A_383 : memref<128xi32, #tpu.memory_space<hbm>>) dst(%arg12 : memref<128xi32, #tpu.memory_space<vmem>>)
        %dma_wait3A_384 = arith.constant 0 : i32
        %dma_wait3A_385 = tpu.memref_slice %arg4[%dma_wait3A_384] : memref<331776xi32, #tpu.memory_space<hbm>> -> memref<128xi32, #tpu.memory_space<hbm>>
        %dma_wait3A_386 = arith.constant 0 : i32
        %dma_wait3A_387 = tpu.memref_slice %arg4[%dma_wait3A_386] : memref<331776xi32, #tpu.memory_space<hbm>> -> memref<128xi32, #tpu.memory_space<hbm>>
        tpu.wait_dma2 semaphore(%arg31 : memref<!tpu.dma_semaphore, #tpu.memory_space<semaphore_mem>>) src(%dma_wait3A_387 : memref<128xi32, #tpu.memory_space<hbm>>) dst(%arg20 : memref<128xi32, #tpu.memory_space<vmem>>)
        %dma_start3A_388 = arith.constant 0 : i32
        %dma_start3A_389 = arith.constant 0 : i32
        %dma_start3A_390 = tpu.memref_slice %arg2[%dma_start3A_388, %dma_start3A_389] : memref<4096x128xf32, #tpu.memory_space<hbm>> -> memref<4096x128xf32, #tpu.memory_space<hbm>>
        tpu.enqueue_indirect_dma source(%dma_start3A_390 : memref<4096x128xf32, #tpu.memory_space<hbm>>) target(%arg24 : memref<128x128xf32, #tpu.memory_space<vmem>>) offsets(%arg12 : memref<128xi32, #tpu.memory_space<vmem>>) semaphore(%arg35 : memref<!tpu.dma_semaphore, #tpu.memory_space<semaphore_mem>>)
      } else {
      }
      %ge3A_297 = arith.constant 8 : i32
      %ge3A_298 = arith.cmpi sge, %add3A_286, %ge3A_297 : i32
      %lt3A_299 = arith.constant 81 : i32
      %lt3A_300 = arith.cmpi slt, %add3A_286, %lt3A_299 : i32
      %and3A_301 = arith.andi %ge3A_298, %lt3A_300 : i1
      %convert_element_type3A_302 = arith.extui %and3A_301 : i1 to i32
      %cond3A_303 = arith.constant 0 : i32
      %cond3A_304 = arith.cmpi ne, %convert_element_type3A_302, %cond3A_303 : i32
      scf.if %cond3A_304 {
        %mul3A_377 = arith.constant 81 : i32
        %mul3A_378 = arith.muli %add3A, %mul3A_377 : i32
        %add3A_379 = arith.addi %mul3A_378, %add3A_286 : i32
        %mul3A_380 = arith.constant 128 : i32
        %mul3A_381 = arith.muli %add3A_379, %mul3A_380 : i32
        %multiple_of3A_382 = tpu.assume_multiple %mul3A_381, 128 : i32
        %dma_start3A_383 = tpu.memref_slice %arg3[%multiple_of3A_382] : memref<331776xi32, #tpu.memory_space<hbm>> -> memref<128xi32, #tpu.memory_space<hbm>>
        %dma_start3A_384 = tpu.memref_slice %arg3[%multiple_of3A_382] : memref<331776xi32, #tpu.memory_space<hbm>> -> memref<128xi32, #tpu.memory_space<hbm>>
        tpu.enqueue_dma source(%dma_start3A_384 : memref<128xi32, #tpu.memory_space<hbm>>) target(%arg10 : memref<128xi32, #tpu.memory_space<vmem>>) target_semaphore(%arg29 : memref<!tpu.dma_semaphore, #tpu.memory_space<semaphore_mem>>)
        %dma_start3A_385 = tpu.memref_slice %arg4[%multiple_of3A_382] : memref<331776xi32, #tpu.memory_space<hbm>> -> memref<128xi32, #tpu.memory_space<hbm>>
        %dma_start3A_386 = tpu.memref_slice %arg4[%multiple_of3A_382] : memref<331776xi32, #tpu.memory_space<hbm>> -> memref<128xi32, #tpu.memory_space<hbm>>
        tpu.enqueue_dma source(%dma_start3A_386 : memref<128xi32, #tpu.memory_space<hbm>>) target(%arg18 : memref<128xi32, #tpu.memory_space<vmem>>) target_semaphore(%arg29 : memref<!tpu.dma_semaphore, #tpu.memory_space<semaphore_mem>>)
      } else {
      }
      %ge3A_305 = arith.constant 0 : i32
      %ge3A_306 = arith.cmpi sge, %sub3A_288, %ge3A_305 : i32
      %lt3A_307 = arith.constant 81 : i32
      %lt3A_308 = arith.cmpi slt, %sub3A_288, %lt3A_307 : i32
      %and3A_309 = arith.andi %ge3A_306, %lt3A_308 : i1
      %convert_element_type3A_310 = arith.extui %and3A_309 : i1 to i32
      %cond3A_311 = arith.constant 0 : i32
      %cond3A_312 = arith.cmpi ne, %convert_element_type3A_310, %cond3A_311 : i32
      scf.if %cond3A_312 {
        %dma_wait3A_377 = arith.constant 0 : i32
        %dma_wait3A_378 = arith.constant 0 : i32
        %dma_wait3A_379 = tpu.memref_slice %arg2[%dma_wait3A_377, %dma_wait3A_378] : memref<4096x128xf32, #tpu.memory_space<hbm>> -> memref<4096x128xf32, #tpu.memory_space<hbm>>
        tpu.wait_indirect_dma semaphore(%arg34 : memref<!tpu.dma_semaphore, #tpu.memory_space<semaphore_mem>>) src(%dma_wait3A_379 : memref<4096x128xf32, #tpu.memory_space<hbm>>) dst(%arg23 : memref<128x128xf32, #tpu.memory_space<vmem>>)
        %dma_start3A_380 = arith.constant 0 : i32
        %dma_start3A_381 = arith.constant 0 : i32
        %dma_start3A_382 = tpu.memref_slice %arg25[%dma_start3A_380, %dma_start3A_381] : memref<10112x128xf32, #tpu.memory_space<vmem_shared>> -> memref<10112x128xf32, #tpu.memory_space<vmem_shared>>
        tpu.enqueue_indirect_dma source(%arg23 : memref<128x128xf32, #tpu.memory_space<vmem>>) target(%dma_start3A_382 : memref<10112x128xf32, #tpu.memory_space<vmem_shared>>) offsets(%arg19 : memref<128xi32, #tpu.memory_space<vmem>>) semaphore(%arg36 : memref<!tpu.dma_semaphore, #tpu.memory_space<semaphore_mem>>) {add = true}
      } else {
      }
      %mul3A_313 = arith.constant 8 : i32
      %mul3A_314 = arith.muli %scan3A_126, %mul3A_313 : i32
      %add3A_315 = arith.constant 6 : i32
      %add3A_316 = arith.addi %mul3A_314, %add3A_315 : i32
      %add3A_317 = arith.constant 6 : i32
      %add3A_318 = arith.addi %add3A_316, %add3A_317 : i32
      %sub3A_319 = arith.constant 1 : i32
      %sub3A_320 = arith.subi %add3A_316, %sub3A_319 : i32
      %ge3A_321 = arith.constant 2 : i32
      %ge3A_322 = arith.cmpi sge, %add3A_316, %ge3A_321 : i32
      %lt3A_323 = arith.constant 81 : i32
      %lt3A_324 = arith.cmpi slt, %add3A_316, %lt3A_323 : i32
      %and3A_325 = arith.andi %ge3A_322, %lt3A_324 : i1
      %convert_element_type3A_326 = arith.extui %and3A_325 : i1 to i32
      %cond3A_327 = arith.constant 0 : i32
      %cond3A_328 = arith.cmpi ne, %convert_element_type3A_326, %cond3A_327 : i32
      scf.if %cond3A_328 {
        %dma_wait3A_377 = arith.constant 0 : i32
        %dma_wait3A_378 = arith.constant 0 : i32
        %dma_wait3A_379 = tpu.memref_slice %arg25[%dma_wait3A_377, %dma_wait3A_378] : memref<10112x128xf32, #tpu.memory_space<vmem_shared>> -> memref<10112x128xf32, #tpu.memory_space<vmem_shared>>
        tpu.wait_indirect_dma semaphore(%arg36 : memref<!tpu.dma_semaphore, #tpu.memory_space<semaphore_mem>>) src(%arg23 : memref<128x128xf32, #tpu.memory_space<vmem>>) dst(%dma_wait3A_379 : memref<10112x128xf32, #tpu.memory_space<vmem_shared>>)
        %dma_wait3A_380 = arith.constant 0 : i32
        %dma_wait3A_381 = tpu.memref_slice %arg3[%dma_wait3A_380] : memref<331776xi32, #tpu.memory_space<hbm>> -> memref<128xi32, #tpu.memory_space<hbm>>
        %dma_wait3A_382 = arith.constant 0 : i32
        %dma_wait3A_383 = tpu.memref_slice %arg3[%dma_wait3A_382] : memref<331776xi32, #tpu.memory_space<hbm>> -> memref<128xi32, #tpu.memory_space<hbm>>
        tpu.wait_dma2 semaphore(%arg32 : memref<!tpu.dma_semaphore, #tpu.memory_space<semaphore_mem>>) src(%dma_wait3A_383 : memref<128xi32, #tpu.memory_space<hbm>>) dst(%arg13 : memref<128xi32, #tpu.memory_space<vmem>>)
        %dma_wait3A_384 = arith.constant 0 : i32
        %dma_wait3A_385 = tpu.memref_slice %arg4[%dma_wait3A_384] : memref<331776xi32, #tpu.memory_space<hbm>> -> memref<128xi32, #tpu.memory_space<hbm>>
        %dma_wait3A_386 = arith.constant 0 : i32
        %dma_wait3A_387 = tpu.memref_slice %arg4[%dma_wait3A_386] : memref<331776xi32, #tpu.memory_space<hbm>> -> memref<128xi32, #tpu.memory_space<hbm>>
        tpu.wait_dma2 semaphore(%arg32 : memref<!tpu.dma_semaphore, #tpu.memory_space<semaphore_mem>>) src(%dma_wait3A_387 : memref<128xi32, #tpu.memory_space<hbm>>) dst(%arg21 : memref<128xi32, #tpu.memory_space<vmem>>)
        %dma_start3A_388 = arith.constant 0 : i32
        %dma_start3A_389 = arith.constant 0 : i32
        %dma_start3A_390 = tpu.memref_slice %arg2[%dma_start3A_388, %dma_start3A_389] : memref<4096x128xf32, #tpu.memory_space<hbm>> -> memref<4096x128xf32, #tpu.memory_space<hbm>>
        tpu.enqueue_indirect_dma source(%dma_start3A_390 : memref<4096x128xf32, #tpu.memory_space<hbm>>) target(%arg23 : memref<128x128xf32, #tpu.memory_space<vmem>>) offsets(%arg13 : memref<128xi32, #tpu.memory_space<vmem>>) semaphore(%arg34 : memref<!tpu.dma_semaphore, #tpu.memory_space<semaphore_mem>>)
      } else {
      }
      %ge3A_329 = arith.constant 8 : i32
      %ge3A_330 = arith.cmpi sge, %add3A_318, %ge3A_329 : i32
      %lt3A_331 = arith.constant 81 : i32
      %lt3A_332 = arith.cmpi slt, %add3A_318, %lt3A_331 : i32
      %and3A_333 = arith.andi %ge3A_330, %lt3A_332 : i1
      %convert_element_type3A_334 = arith.extui %and3A_333 : i1 to i32
      %cond3A_335 = arith.constant 0 : i32
      %cond3A_336 = arith.cmpi ne, %convert_element_type3A_334, %cond3A_335 : i32
      scf.if %cond3A_336 {
        %mul3A_377 = arith.constant 81 : i32
        %mul3A_378 = arith.muli %add3A, %mul3A_377 : i32
        %add3A_379 = arith.addi %mul3A_378, %add3A_318 : i32
        %mul3A_380 = arith.constant 128 : i32
        %mul3A_381 = arith.muli %add3A_379, %mul3A_380 : i32
        %multiple_of3A_382 = tpu.assume_multiple %mul3A_381, 128 : i32
        %dma_start3A_383 = tpu.memref_slice %arg3[%multiple_of3A_382] : memref<331776xi32, #tpu.memory_space<hbm>> -> memref<128xi32, #tpu.memory_space<hbm>>
        %dma_start3A_384 = tpu.memref_slice %arg3[%multiple_of3A_382] : memref<331776xi32, #tpu.memory_space<hbm>> -> memref<128xi32, #tpu.memory_space<hbm>>
        tpu.enqueue_dma source(%dma_start3A_384 : memref<128xi32, #tpu.memory_space<hbm>>) target(%arg11 : memref<128xi32, #tpu.memory_space<vmem>>) target_semaphore(%arg30 : memref<!tpu.dma_semaphore, #tpu.memory_space<semaphore_mem>>)
        %dma_start3A_385 = tpu.memref_slice %arg4[%multiple_of3A_382] : memref<331776xi32, #tpu.memory_space<hbm>> -> memref<128xi32, #tpu.memory_space<hbm>>
        %dma_start3A_386 = tpu.memref_slice %arg4[%multiple_of3A_382] : memref<331776xi32, #tpu.memory_space<hbm>> -> memref<128xi32, #tpu.memory_space<hbm>>
        tpu.enqueue_dma source(%dma_start3A_386 : memref<128xi32, #tpu.memory_space<hbm>>) target(%arg19 : memref<128xi32, #tpu.memory_space<vmem>>) target_semaphore(%arg30 : memref<!tpu.dma_semaphore, #tpu.memory_space<semaphore_mem>>)
      } else {
      }
      %ge3A_337 = arith.constant 0 : i32
      %ge3A_338 = arith.cmpi sge, %sub3A_320, %ge3A_337 : i32
      %lt3A_339 = arith.constant 81 : i32
      %lt3A_340 = arith.cmpi slt, %sub3A_320, %lt3A_339 : i32
      %and3A_341 = arith.andi %ge3A_338, %lt3A_340 : i1
      %convert_element_type3A_342 = arith.extui %and3A_341 : i1 to i32
      %cond3A_343 = arith.constant 0 : i32
      %cond3A_344 = arith.cmpi ne, %convert_element_type3A_342, %cond3A_343 : i32
      scf.if %cond3A_344 {
        %dma_wait3A_377 = arith.constant 0 : i32
        %dma_wait3A_378 = arith.constant 0 : i32
        %dma_wait3A_379 = tpu.memref_slice %arg2[%dma_wait3A_377, %dma_wait3A_378] : memref<4096x128xf32, #tpu.memory_space<hbm>> -> memref<4096x128xf32, #tpu.memory_space<hbm>>
        tpu.wait_indirect_dma semaphore(%arg35 : memref<!tpu.dma_semaphore, #tpu.memory_space<semaphore_mem>>) src(%dma_wait3A_379 : memref<4096x128xf32, #tpu.memory_space<hbm>>) dst(%arg24 : memref<128x128xf32, #tpu.memory_space<vmem>>)
        %dma_start3A_380 = arith.constant 0 : i32
        %dma_start3A_381 = arith.constant 0 : i32
        %dma_start3A_382 = tpu.memref_slice %arg25[%dma_start3A_380, %dma_start3A_381] : memref<10112x128xf32, #tpu.memory_space<vmem_shared>> -> memref<10112x128xf32, #tpu.memory_space<vmem_shared>>
        tpu.enqueue_indirect_dma source(%arg24 : memref<128x128xf32, #tpu.memory_space<vmem>>) target(%dma_start3A_382 : memref<10112x128xf32, #tpu.memory_space<vmem_shared>>) offsets(%arg20 : memref<128xi32, #tpu.memory_space<vmem>>) semaphore(%arg37 : memref<!tpu.dma_semaphore, #tpu.memory_space<semaphore_mem>>) {add = true}
      } else {
      }
      %mul3A_345 = arith.constant 8 : i32
      %mul3A_346 = arith.muli %scan3A_126, %mul3A_345 : i32
      %add3A_347 = arith.constant 7 : i32
      %add3A_348 = arith.addi %mul3A_346, %add3A_347 : i32
      %add3A_349 = arith.constant 6 : i32
      %add3A_350 = arith.addi %add3A_348, %add3A_349 : i32
      %sub3A_351 = arith.constant 1 : i32
      %sub3A_352 = arith.subi %add3A_348, %sub3A_351 : i32
      %ge3A_353 = arith.constant 2 : i32
      %ge3A_354 = arith.cmpi sge, %add3A_348, %ge3A_353 : i32
      %lt3A_355 = arith.constant 81 : i32
      %lt3A_356 = arith.cmpi slt, %add3A_348, %lt3A_355 : i32
      %and3A_357 = arith.andi %ge3A_354, %lt3A_356 : i1
      %convert_element_type3A_358 = arith.extui %and3A_357 : i1 to i32
      %cond3A_359 = arith.constant 0 : i32
      %cond3A_360 = arith.cmpi ne, %convert_element_type3A_358, %cond3A_359 : i32
      scf.if %cond3A_360 {
        %dma_wait3A_377 = arith.constant 0 : i32
        %dma_wait3A_378 = arith.constant 0 : i32
        %dma_wait3A_379 = tpu.memref_slice %arg25[%dma_wait3A_377, %dma_wait3A_378] : memref<10112x128xf32, #tpu.memory_space<vmem_shared>> -> memref<10112x128xf32, #tpu.memory_space<vmem_shared>>
        tpu.wait_indirect_dma semaphore(%arg37 : memref<!tpu.dma_semaphore, #tpu.memory_space<semaphore_mem>>) src(%arg24 : memref<128x128xf32, #tpu.memory_space<vmem>>) dst(%dma_wait3A_379 : memref<10112x128xf32, #tpu.memory_space<vmem_shared>>)
        %dma_wait3A_380 = arith.constant 0 : i32
        %dma_wait3A_381 = tpu.memref_slice %arg3[%dma_wait3A_380] : memref<331776xi32, #tpu.memory_space<hbm>> -> memref<128xi32, #tpu.memory_space<hbm>>
        %dma_wait3A_382 = arith.constant 0 : i32
        %dma_wait3A_383 = tpu.memref_slice %arg3[%dma_wait3A_382] : memref<331776xi32, #tpu.memory_space<hbm>> -> memref<128xi32, #tpu.memory_space<hbm>>
        tpu.wait_dma2 semaphore(%arg33 : memref<!tpu.dma_semaphore, #tpu.memory_space<semaphore_mem>>) src(%dma_wait3A_383 : memref<128xi32, #tpu.memory_space<hbm>>) dst(%arg14 : memref<128xi32, #tpu.memory_space<vmem>>)
        %dma_wait3A_384 = arith.constant 0 : i32
        %dma_wait3A_385 = tpu.memref_slice %arg4[%dma_wait3A_384] : memref<331776xi32, #tpu.memory_space<hbm>> -> memref<128xi32, #tpu.memory_space<hbm>>
        %dma_wait3A_386 = arith.constant 0 : i32
        %dma_wait3A_387 = tpu.memref_slice %arg4[%dma_wait3A_386] : memref<331776xi32, #tpu.memory_space<hbm>> -> memref<128xi32, #tpu.memory_space<hbm>>
        tpu.wait_dma2 semaphore(%arg33 : memref<!tpu.dma_semaphore, #tpu.memory_space<semaphore_mem>>) src(%dma_wait3A_387 : memref<128xi32, #tpu.memory_space<hbm>>) dst(%arg22 : memref<128xi32, #tpu.memory_space<vmem>>)
        %dma_start3A_388 = arith.constant 0 : i32
        %dma_start3A_389 = arith.constant 0 : i32
        %dma_start3A_390 = tpu.memref_slice %arg2[%dma_start3A_388, %dma_start3A_389] : memref<4096x128xf32, #tpu.memory_space<hbm>> -> memref<4096x128xf32, #tpu.memory_space<hbm>>
        tpu.enqueue_indirect_dma source(%dma_start3A_390 : memref<4096x128xf32, #tpu.memory_space<hbm>>) target(%arg24 : memref<128x128xf32, #tpu.memory_space<vmem>>) offsets(%arg14 : memref<128xi32, #tpu.memory_space<vmem>>) semaphore(%arg35 : memref<!tpu.dma_semaphore, #tpu.memory_space<semaphore_mem>>)
      } else {
      }
      %ge3A_361 = arith.constant 8 : i32
      %ge3A_362 = arith.cmpi sge, %add3A_350, %ge3A_361 : i32
      %lt3A_363 = arith.constant 81 : i32
      %lt3A_364 = arith.cmpi slt, %add3A_350, %lt3A_363 : i32
      %and3A_365 = arith.andi %ge3A_362, %lt3A_364 : i1
      %convert_element_type3A_366 = arith.extui %and3A_365 : i1 to i32
      %cond3A_367 = arith.constant 0 : i32
      %cond3A_368 = arith.cmpi ne, %convert_element_type3A_366, %cond3A_367 : i32
      scf.if %cond3A_368 {
        %mul3A_377 = arith.constant 81 : i32
        %mul3A_378 = arith.muli %add3A, %mul3A_377 : i32
        %add3A_379 = arith.addi %mul3A_378, %add3A_350 : i32
        %mul3A_380 = arith.constant 128 : i32
        %mul3A_381 = arith.muli %add3A_379, %mul3A_380 : i32
        %multiple_of3A_382 = tpu.assume_multiple %mul3A_381, 128 : i32
        %dma_start3A_383 = tpu.memref_slice %arg3[%multiple_of3A_382] : memref<331776xi32, #tpu.memory_space<hbm>> -> memref<128xi32, #tpu.memory_space<hbm>>
        %dma_start3A_384 = tpu.memref_slice %arg3[%multiple_of3A_382] : memref<331776xi32, #tpu.memory_space<hbm>> -> memref<128xi32, #tpu.memory_space<hbm>>
        tpu.enqueue_dma source(%dma_start3A_384 : memref<128xi32, #tpu.memory_space<hbm>>) target(%arg12 : memref<128xi32, #tpu.memory_space<vmem>>) target_semaphore(%arg31 : memref<!tpu.dma_semaphore, #tpu.memory_space<semaphore_mem>>)
        %dma_start3A_385 = tpu.memref_slice %arg4[%multiple_of3A_382] : memref<331776xi32, #tpu.memory_space<hbm>> -> memref<128xi32, #tpu.memory_space<hbm>>
        %dma_start3A_386 = tpu.memref_slice %arg4[%multiple_of3A_382] : memref<331776xi32, #tpu.memory_space<hbm>> -> memref<128xi32, #tpu.memory_space<hbm>>
        tpu.enqueue_dma source(%dma_start3A_386 : memref<128xi32, #tpu.memory_space<hbm>>) target(%arg20 : memref<128xi32, #tpu.memory_space<vmem>>) target_semaphore(%arg31 : memref<!tpu.dma_semaphore, #tpu.memory_space<semaphore_mem>>)
      } else {
      }
      %ge3A_369 = arith.constant 0 : i32
      %ge3A_370 = arith.cmpi sge, %sub3A_352, %ge3A_369 : i32
      %lt3A_371 = arith.constant 81 : i32
      %lt3A_372 = arith.cmpi slt, %sub3A_352, %lt3A_371 : i32
      %and3A_373 = arith.andi %ge3A_370, %lt3A_372 : i1
      %convert_element_type3A_374 = arith.extui %and3A_373 : i1 to i32
      %cond3A_375 = arith.constant 0 : i32
      %cond3A_376 = arith.cmpi ne, %convert_element_type3A_374, %cond3A_375 : i32
      scf.if %cond3A_376 {
        %dma_wait3A_377 = arith.constant 0 : i32
        %dma_wait3A_378 = arith.constant 0 : i32
        %dma_wait3A_379 = tpu.memref_slice %arg2[%dma_wait3A_377, %dma_wait3A_378] : memref<4096x128xf32, #tpu.memory_space<hbm>> -> memref<4096x128xf32, #tpu.memory_space<hbm>>
        tpu.wait_indirect_dma semaphore(%arg34 : memref<!tpu.dma_semaphore, #tpu.memory_space<semaphore_mem>>) src(%dma_wait3A_379 : memref<4096x128xf32, #tpu.memory_space<hbm>>) dst(%arg23 : memref<128x128xf32, #tpu.memory_space<vmem>>)
        %dma_start3A_380 = arith.constant 0 : i32
        %dma_start3A_381 = arith.constant 0 : i32
        %dma_start3A_382 = tpu.memref_slice %arg25[%dma_start3A_380, %dma_start3A_381] : memref<10112x128xf32, #tpu.memory_space<vmem_shared>> -> memref<10112x128xf32, #tpu.memory_space<vmem_shared>>
        tpu.enqueue_indirect_dma source(%arg23 : memref<128x128xf32, #tpu.memory_space<vmem>>) target(%dma_start3A_382 : memref<10112x128xf32, #tpu.memory_space<vmem_shared>>) offsets(%arg21 : memref<128xi32, #tpu.memory_space<vmem>>) semaphore(%arg36 : memref<!tpu.dma_semaphore, #tpu.memory_space<semaphore_mem>>) {add = true}
      } else {
      }
    }
    %scan3A_114 = arith.constant 11 : i32
    %dma_wait3A_115 = arith.constant 0 : i32
    %dma_wait3A_116 = arith.constant 0 : i32
    %dma_wait3A_117 = tpu.memref_slice %arg25[%dma_wait3A_115, %dma_wait3A_116] : memref<10112x128xf32, #tpu.memory_space<vmem_shared>> -> memref<10112x128xf32, #tpu.memory_space<vmem_shared>>
    tpu.wait_indirect_dma semaphore(%arg36 : memref<!tpu.dma_semaphore, #tpu.memory_space<semaphore_mem>>) src(%arg23 : memref<128x128xf32, #tpu.memory_space<vmem>>) dst(%dma_wait3A_117 : memref<10112x128xf32, #tpu.memory_space<vmem_shared>>)
    %dma_wait3A_118 = arith.constant 0 : i32
    %dma_wait3A_119 = arith.constant 0 : i32
    %dma_wait3A_120 = tpu.memref_slice %arg25[%dma_wait3A_118, %dma_wait3A_119] : memref<10112x128xf32, #tpu.memory_space<vmem_shared>> -> memref<10112x128xf32, #tpu.memory_space<vmem_shared>>
    tpu.wait_indirect_dma semaphore(%arg37 : memref<!tpu.dma_semaphore, #tpu.memory_space<semaphore_mem>>) src(%arg24 : memref<128x128xf32, #tpu.memory_space<vmem>>) dst(%dma_wait3A_120 : memref<10112x128xf32, #tpu.memory_space<vmem_shared>>)
    %barrier3A_121 = arith.constant 0 : index
    tpu.barrier barrier_id(%barrier3A_121)
    %mul3A_122 = arith.constant 632 : i32
    %mul3A_123 = arith.muli %arg1, %mul3A_122 : i32
    %mul3A_124 = arith.constant 632 : i32
    %mul3A_125 = arith.muli %arg1, %mul3A_124 : i32
    "tpu.region"() ({
      %run_scoped3A = tpu.sem_alloc : memref<!tpu.dma_semaphore, #tpu.memory_space<semaphore_mem>>
      %dma_start3A_126 = arith.constant 0 : i32
      %dma_start3A_127 = tpu.memref_slice %arg6[%arg0, %mul3A_125, %dma_start3A_126] : memref<2x10112x128xf32, #tpu.memory_space<hbm>> -> memref<1x632x128xf32, #tpu.memory_space<hbm>>
      %dma_start3A_128 = tpu.memref_squeeze %dma_start3A_127 : memref<1x632x128xf32, #tpu.memory_space<hbm>> -> memref<632x128xf32, #tpu.memory_space<hbm>>
      %dma_start3A_129 = arith.constant 0 : i32
      %dma_start3A_130 = tpu.memref_slice %arg25[%mul3A_123, %dma_start3A_129] : memref<10112x128xf32, #tpu.memory_space<vmem_shared>> -> memref<632x128xf32, #tpu.memory_space<vmem_shared>>
      tpu.enqueue_dma source(%dma_start3A_130 : memref<632x128xf32, #tpu.memory_space<vmem_shared>>) target(%dma_start3A_128 : memref<632x128xf32, #tpu.memory_space<hbm>>) target_semaphore(%run_scoped3A : memref<!tpu.dma_semaphore, #tpu.memory_space<semaphore_mem>>)
      %dma_wait3A_131 = arith.constant 0 : i32
      %dma_wait3A_132 = tpu.memref_slice %arg6[%arg0, %mul3A_125, %dma_wait3A_131] : memref<2x10112x128xf32, #tpu.memory_space<hbm>> -> memref<1x632x128xf32, #tpu.memory_space<hbm>>
      %dma_wait3A_133 = tpu.memref_squeeze %dma_wait3A_132 : memref<1x632x128xf32, #tpu.memory_space<hbm>> -> memref<632x128xf32, #tpu.memory_space<hbm>>
      %dma_wait3A_134 = arith.constant 0 : i32
      %dma_wait3A_135 = tpu.memref_slice %arg25[%mul3A_123, %dma_wait3A_134] : memref<10112x128xf32, #tpu.memory_space<vmem_shared>> -> memref<632x128xf32, #tpu.memory_space<vmem_shared>>
      tpu.wait_dma2 semaphore(%run_scoped3A : memref<!tpu.dma_semaphore, #tpu.memory_space<semaphore_mem>>) src(%dma_wait3A_135 : memref<632x128xf32, #tpu.memory_space<vmem_shared>>) dst(%dma_wait3A_133 : memref<632x128xf32, #tpu.memory_space<hbm>>)
      tpu.yield
    }) : () -> ()
    return
  }
}

</mosaic_0001>

<sc_bundles>
// kernel: _sc_segment_sum.3.cloned.1.call-start
scs
__scs_entry_jumppad:
0x0: {  	(pc) =	sbr.rel $0x88, $3  }
0x1: {  	(tag) =	ssettag $0x0;
	lr =	simm.s32 $0x1  }
0x2: {  	[smem:$0x3F9D] =	sst lr;
	_ =	strace $0xD0000000  }
0x3: {  	_ = 	snop  }
0x4: {  	_ = 	snop  }
0x5: {  	_ = 	snop  }
0x6: {  	_ = 	snop  }
0x7: {  	_ = 	snop  }
__scs_overlays_trampoline_lowered:
0x8: {  	[smem:$0x3FAC] =	sst s0  }
0x9: {  	[smem:$0x3FAD] =	sst s1  }
0xa: {  	[smem:$0x3FAE] =	sst s2  }
0xb: {  	[smem:$0x3FAF] =	sst s3  }
0xc: {  	[smem:$0x3FB0] =	sst s4  }
0xd: {  	[smem:$0x3FB1] =	sst s5  }
0xe: {  	[smem:$0x3FB2] =	sst s6  }
0xf: {  	[smem:$0x3FB3] =	sst s7  }
0x10: {  	[smem:$0x3FB4] =	sst s8  }
0x11: {  	[smem:$0x3FB5] =	sst s9;
	s0 =	simm.s32 @!p0 $0x0  }
0x12: {  	s1 =	sld [smem:$0x3F9B];
	s0 =	simm.s32 @p0 $0x1  }
0x13: {  	[smem:$0x3FB6] =	sst s0;
	s0 =	simm.s32 @!p1 $0x0  }
0x14: {  	s2 =	sld [smem:$0x3F9A];
	s0 =	simm.s32 @p1 $0x1  }
0x15: {  	[smem:$0x3FB7] =	sst s0;
	s0 =	simm.s32 @!p2 $0x0  }
0x16: {  	s3 =	sld [smem:$0x3FDB];
	s0 =	simm.s32 @p2 $0x1  }
0x17: {  	s4 =	simm.s32 $0x1BF5;
	[smem:$0x3FB9] =	sst s0  }
0x18: {  	s0 =	sld [smem:$0x3F9C];
	_ =	swait.ge [sflag:s4], $0x0  }
0x19: {  	s7 =	sld [smem:$0x3F9D]  }
0x1a: {  	s8 =	sadd.s32 $0xFFFFE003, lr  }
0x1b: {  	s9 =	sadd.s32 $0xFFFFFEF7, lr;
	s5 =	simm.s32 $0xFFFFFFFF;
	p2 =	slt.u32 s8, $0xFFFFF086  }
0x1c: {  	p1 =	slt.u32 s9, $0xF7A;
	s5 =	simm.s32 @!p2 $0x0  }
0x1d: {  	s5 =	simm.s32 @p1 $0x1;
	p0 =	seq.s32 s7, s2  }
0x1e: {  	s7 =	smul.u32 @!p0 $0xF7A, s2;
	p2 =	seq.s32 @!p0 s5, $0x0  }
0x1f: {  	s9 =	smul.u32 $0xF7A, s1;
	s8 =	simm.s32 @!p0 $0x1BF5;
	p2 =	por !p2, p0  }
0x20: {  	[sflag:s8] =	ssyncset.s32 @!p0 $0xFFFFF086;
	s6 =	sadd.s32 @!p0 s3, s7;
	s7 =	simm.s32 @!p0 $0x108  }
0x21: {  	s3 =	sadd.s32 s3, s9;
	s6 =	sadd.s32 @!p0 $0x88, s6;
	s7 =	simm.s32 @p2 $0x1082  }
0x22: {  	[simem:s7], [sflag:s8] =	dma.local @!p0 [hbm:s6], $0xF7A  }
0x23: {  	s9 =	sor.u32 $0xD0000000, s2;
	s6 =	simm.s32 $0x108;
	_ =	swait.ge @!p0 [sflag:s8], $0x0  }
0x24: {  	s3 =	sadd.s32 $0x88, s3;
	s6 =	simm.s32 @!p1 $0x1082;
	[sflag:s4] =	ssyncset.s32 $0xFFFFF086  }
0x25: {  	[simem:s6], [sflag:s4] =	dma.local [hbm:s3], $0xF7A  }
0x26: {  	[smem:$0x3F9D] =	sst s1;
	(tag) =	ssettag s2;
	_ =	strace s9  }
0x27: {  	s1 =	sld [smem:$0x3FAD]  }
0x28: {  	s2 =	sld [smem:$0x3FAE]  }
0x29: {  	s4 =	sld [smem:$0x3FB0]  }
0x2a: {  	p0 =	seq.s32 s5, $0x0;
	s5 =	sld [smem:$0x3FB1]  }
0x2b: {  	s6 =	sld [smem:$0x3FB2]  }
0x2c: {  	s7 =	sld [smem:$0x3FB3]  }
0x2d: {  	s3 =	simm.s32 $0x108;
	s8 =	sld [smem:$0x3FB4]  }
0x2e: {  	s3 =	simm.s32 @!p0 $0x1082;
	s9 =	sld [smem:$0x3FB5]  }
0x2f: {  	lr =	sadd.s32 s0, s3;
	s0 =	sld [smem:$0x3FAC]  }
0x30: {  	s3 =	sld [smem:$0x3FAF]  }
0x31: {  	[smem:$0x3FB8] =	sst s10  }
0x32: {  	s10 =	sld [smem:$0x3FB6];
	_ =	sdelay $0x3  }
0x33: {  	p0 =	seq.s32 s10, $0x1;
	s10 =	sld [smem:$0x3FB8];
	_ =	sdelay $0x3  }
0x34: {  	[smem:$0x3FB8] =	sst s10  }
0x35: {  	s10 =	sld [smem:$0x3FB7];
	_ =	sdelay $0x3  }
0x36: {  	p1 =	seq.s32 s10, $0x1;
	s10 =	sld [smem:$0x3FB8];
	_ =	sdelay $0x3  }
0x37: {  	[smem:$0x3FB8] =	sst s10  }
0x38: {  	s10 =	sld [smem:$0x3FB9]  }
0x39: {  	_ = 	snop;
	(pc) =	sbr.ind lr, $3  }
0x3a: {  	_ = 	snop  }
0x3b: {  	_ = 	snop  }
0x3c: {  	p2 =	seq.s32 s10, $0x1;
	s10 =	sld [smem:$0x3FB8]  }
0x3d: {  	_ =	shalt  }
0x3e: {  	_ =	shalt  }
0x3f: {  	_ =	shalt  }
0x40: {  	_ =	shalt  }
0x41: {  	_ =	shalt  }
0x42: {  	_ =	shalt  }
0x43: {  	_ =	shalt  }
0x44: {  	_ =	shalt  }
0x45: {  	_ =	shalt  }
0x46: {  	_ =	shalt  }
0x47: {  	_ =	shalt  }
0x48: {  	_ =	shalt  }
0x49: {  	_ =	shalt  }
0x4a: {  	_ =	shalt  }
0x4b: {  	_ =	shalt  }
0x4c: {  	_ =	shalt  }
0x4d: {  	_ =	shalt  }
0x4e: {  	_ =	shalt  }
0x4f: {  	_ =	shalt  }
0x50: {  	_ =	shalt  }
0x51: {  	_ =	shalt  }
0x52: {  	_ =	shalt  }
0x53: {  	_ =	shalt  }
0x54: {  	_ =	shalt  }
0x55: {  	_ =	shalt  }
0x56: {  	_ =	shalt  }
0x57: {  	_ =	shalt  }
0x58: {  	_ =	shalt  }
0x59: {  	_ =	shalt  }
0x5a: {  	_ =	shalt  }
0x5b: {  	_ =	shalt  }
0x5c: {  	_ =	shalt  }
0x5d: {  	_ =	shalt  }
0x5e: {  	_ =	shalt  }
0x5f: {  	_ =	shalt  }
0x60: {  	_ =	shalt  }
0x61: {  	_ =	shalt  }
0x62: {  	_ =	shalt  }
0x63: {  	_ =	shalt  }
0x64: {  	_ =	shalt  }
0x65: {  	_ =	shalt  }
0x66: {  	_ =	shalt  }
0x67: {  	_ =	shalt  }
0x68: {  	_ =	shalt  }
0x69: {  	_ =	shalt  }
0x6a: {  	_ =	shalt  }
0x6b: {  	_ =	shalt  }
0x6c: {  	_ =	shalt  }
0x6d: {  	_ =	shalt  }
0x6e: {  	_ =	shalt  }
0x6f: {  	_ =	shalt  }
0x70: {  	_ =	shalt  }
0x71: {  	_ =	shalt  }
0x72: {  	_ =	shalt  }
0x73: {  	_ =	shalt  }
0x74: {  	_ =	shalt  }
0x75: {  	_ =	shalt  }
0x76: {  	_ =	shalt  }
0x77: {  	_ =	shalt  }
0x78: {  	_ =	shalt  }
0x79: {  	_ =	shalt  }
0x7a: {  	_ =	shalt  }
0x7b: {  	_ =	shalt  }
0x7c: {  	_ =	shalt  }
0x7d: {  	_ =	shalt  }
0x7e: {  	_ =	shalt  }
0x7f: {  	_ =	shalt  }
0x80: {  	_ =	shalt  }
0x81: {  	_ =	shalt  }
0x82: {  	_ =	shalt  }
0x83: {  	_ =	shalt  }
0x84: {  	_ =	shalt  }
0x85: {  	_ =	shalt  }
0x86: {  	_ =	shalt  }
0x87: {  	_ =	shalt  }
.Lfunc_end0:
.L_simem_size_0:
called_computation_lowered:
.L_overlay_start_0:
0x88: {  	s2 =	sld [smem:$0x3FD9]  }
0x89: {  	s3 =	sld [smem:$0x3FFE];
	_ =	sdelay $0x1  }
0x8a: {  	s1 =	srdreg.scid  }
0x8b: {  	s0 =	sand.u32 $0x1, s1  }
0x8c: {  	s18 =	sshll.u32 s0, $0xA;
	s2 =	sadd.s32 s3, s2  }
0x8d: {  	s2 =	sadd.s32 s2, s18  }
0x8e: {  	[smem:$0x3FC4] =	sst s2  }
0x8f: {  	_ = 	snop  }
0x90: {  	s2 =	sld [smem:$0x3FC9]  }
0x91: {  	s19 =	sld [smem:$0x3FC8]  }
0x92: {  	s4 =	sld [smem:$0x3FC7]  }
0x93: {  	s5 =	sld [smem:$0x3FC6]  }
0x94: {  	s6 =	sld [smem:$0x3FD0];
	(tm) =	ssettm $0x1  }
0x95: {  	s7 =	sld [smem:$0x3FFB];
	_ =	sdelay $0x3  }
0x96: {  	_ =	strace s7  }
0x97: {  	s7 =	sld [smem:$0x3FFC];
	_ =	sdelay $0x3  }
0x98: {  	_ =	strace s7  }
0x99: {  	s7 =	sld [smem:$0x3FFD];
	_ =	sdelay $0x3  }
0x9a: {  	_ =	strace s7  }
0x9b: {  	_ =	strace $0x8FFFFFFF  }
0x9c: {  	s20 =	sld [smem:$0x3FDB];
	_ =	sdelay $0x1  }
0x9d: {  	s8 =	simm.s32 $_scs_section_size  }
0x9e: {  	s9 =	simm.s32 $_size__tile_overlayer_lowered;
	s10 =	simm.s32 $_tile_overlayer_lowered  }
0x9f: {  	s23 =	simm.s32 $0x1BFF;
	s22 =	sshll.u32 s10, $0x1;
	s7 =	sadd.s32 s8, s20  }
0xa0: {  	s11 =	simm.s32 $0x0;
	s21 =	sshll.u32 s9, $0x1;
	s9 =	sadd.s32 s22, s7  }
0xa1: {  	[timem:s11], [sflag:s23] =	dma.local [hbm:s9], s21  }
0xa2: {  	_ =	swait.ge [sflag:s23], s21  }
0xa3: {  	s8 =	ssub.s32 $0x0, s21;
	[sflag:s23] =	ssyncset.done $0x0  }
0xa4: {  	[sflag:s23] =	ssyncadd.s32 s8;
	_ =	sdelay $0x1  }
0xa5: {  	s24 =	simm.s32 $0x1B8B  }
0xa6: {  	_ =	swait.ge [sflag:s24], $0x1  }
0xa7: {  	[sflag:s24] =	ssyncset.done $0x0  }
0xa8: {  	s25 =	simm.s32 $0x1B8E;
	[sflag:s24] =	ssyncadd.s32 $0xFFFFFFFF  }
0xa9: {  	s26 =	simm.s32 $execute0_lowered;
	[smem:$0x3FD2] =	sst s25  }
0xaa: {  	s8 =	sshll.u32 s26, $0x1;
	_ =	strace $0x80000046;
	[dreg:$0x1] =	wrdreg $0xFFFFFFFF  }
0xab: {  	s28 =	simm.s32 $_size_execute0_lowered;
	s7 =	sadd.s32 s7, s8;
	[dreg:$0x0] =	wrdreg $0x0  }
0xac: {  	s8 =	sshll.u32 s28, $0x1;
	[dreg:$0x2] =	wrdreg s7  }
0xad: {  	[dreg:$0x3] =	wrdreg s8  }
0xae: {  	[dreg:$0x4] =	wrdreg $0xC0  }
0xaf: {  	_ =	task [dreg:s11], $0x5FFFF  }
0xb0: {  	[dreg:$0x1] =	wrdreg $0xFFFFFFFF  }
0xb1: {  	[dreg:$0x0] =	wrdreg $0x60  }
0xb2: {  	[dreg:$0x2] =	wrdreg s2  }
0xb3: {  	[dreg:$0x3] =	wrdreg s19  }
0xb4: {  	[dreg:$0x4] =	wrdreg s4  }
0xb5: {  	[dreg:$0x5] =	wrdreg s5  }
0xb6: {  	[dreg:$0x6] =	wrdreg s6  }
0xb7: {  	[dreg:$0x7] =	wrdreg $0x88000  }
0xb8: {  	[dreg:$0x8] =	wrdreg $0x9  }
0xb9: {  	_ =	task.clear_ibuf [dreg:s11], $0x9FFFF;
	_ =	strace $0x90000046  }
0xba: {  	s29 =	simm.s32 $0x9;
	_ =	strace $0x80000048  }
0xbb: {  	_ =	swait.ge [sflag:s29], $0x1  }
0xbc: {  	[sflag:s29] =	ssyncadd.s32 $0xFFFFFFFF  }
0xbd: {  	_ =	strace $0x90000048  }
0xbe: {  	_ =	sfence  }
0xbf: {  	s30 =	sld [smem:$0x0];
	_ =	sdelay $0x2  }
0xc0: {  	s31 =	sshll.u32 s1, $0xD;
	s1 =	sshrl.u32 s1, $0x2  }
0xc1: {  	s3 =	sand.u32 $0x4000, s31;
	s1 =	sadd.s32 s1, s30  }
0xc2: {  	s0 =	sor.u32 s3, s0;
	s1 =	sshll.u32 s1, $0x11  }
0xc3: {  	s0 =	sor.u32 s1, s0  }
0xc4: {  	s0 =	sadd.s32 $0x8F2B, s0  }
0xc5: {  	[sflag:s0] =	ssyncadd.remote.s32 $0x1  }
0xc6: {  	_ =	sfence.sel $0xFFFF  }
0xc7: {  	[dreg:$0x0] =	wrdreg $0xFFFFFFFF;
	(pc) =	sbr.abs _section_cstart, $3  }
0xc8: {  	[dreg:$0x1] =	wrdreg $0xFFFFFFFF  }
0xc9: {  	_ =	task.clear_ibuf [dreg:s11], $0x2FFFF;
	_ =	strace $0x9FFFFFFF  }
0xca: {  	(tm) =	ssettm $0x7FFFFFFF  }
0xcb: {  	_ =	shalt  }
tec
execute0_lowered:
.L_overlay_start_1:
0x0: {  	(tag) =	ssettag $0x1  }
0x1: {  	s0 =	srdreg.scid;
	s11 =	stileid.u32  }
0x2: {  	s2 =	rddreg [dreg:$0x1];
	s0 =	sand.u32 $0x1, s0;
	s1 =	sshll.u32 s11, $0x1  }
0x3: {  	s4 =	rddreg [dreg:$0x2];
	s25 =	smul.u32 $0x13C00, s11;
	s3 =	sor.u32 s0, s1  }
0x4: {  	s6 =	rddreg [dreg:$0x4];
	s5 =	smul.u32 $0x2880, s3  }
0x5: {  	s30 =	rddreg [dreg:$0x0];
	s3 =	smul.u32 $0x510, s3  }
0x6: {  	s1 =	simm.s32 $0x0;
	s7 =	ssub.s32 $0x2, s0;
	s19 =	smul.u32 $0x13C000, s0  }
0x7: {  	[smem:$0x7FF] =	sst s1;
	s9 =	sshrl.u32 s5, $0x3;
	s29 =	sadd.s32 s2, s3  }
0x8: {  	s3 =	sadd.s32 s4, s3;
	s28 =	sadd.s32 $0x10, s9;
	[dreg:$0x7] =	wrdreg s29  }
0x9: {  	s0 =	smul.u32 $0x51, s0;
	[dreg:$0x8] =	wrdreg s3;
	s10 =	sadd.s32 s2, s28  }
0xa: {  	s13 =	sadd.s32 $0x20, s9;
	s12 =	sadd.s32 s4, s28;
	[dreg:$0x9] =	wrdreg s10  }
0xb: {  	s8 =	sshrl.u32 s7, $0x1;
	s15 =	sadd.s32 s2, s13;
	[dreg:$0xa] =	wrdreg s12  }
0xc: {  	s14 =	sadd.s32 $0x30, s9;
	s3 =	sadd.s32 s4, s13;
	[dreg:$0xb] =	wrdreg s15  }
0xd: {  	s5 =	ssub.s32 s7, s8;
	s16 =	sadd.s32 s2, s14;
	[dreg:$0xc] =	wrdreg s3  }
0xe: {  	s18 =	sadd.s32 $0x40, s9;
	s17 =	sadd.s32 s4, s14;
	[dreg:$0xd] =	wrdreg s16  }
0xf: {  	s21 =	sadd.s32 $0x50, s9;
	s20 =	sadd.s32 s2, s18;
	[dreg:$0xe] =	wrdreg s17  }
0x10: {  	s7 =	sadd.s32 s25, s19;
	s22 =	sadd.s32 s2, s21;
	[dreg:$0xf] =	wrdreg s20  }
0x11: {  	s26 =	sadd.s32 $0x70, s9;
	s23 =	sadd.s32 s4, s21;
	[dreg:$0x11] =	wrdreg s22  }
0x12: {  	s7 =	sshrl.u32 s7, $0x3;
	s28 =	sadd.s32 s2, s26;
	[dreg:$0x12] =	wrdreg s23  }
0x13: {  	s24 =	sadd.s32 $0x60, s9;
	s6 =	sadd.s32 s6, s7;
	[dreg:$0x15] =	wrdreg s28  }
0x14: {  	s10 =	smul.u32 $0xA2, s11;
	s3 =	sadd.s32 s4, s18;
	[dreg:$0x17] =	wrdreg s6  }
0x15: {  	s5 =	smax.u32 s5, $0x1;
	s12 =	sadd.s32 s2, s24;
	[dreg:$0x10] =	wrdreg s3  }
0x16: {  	[dreg:$0x13] =	wrdreg s12;
	s3 =	sadd.s32 s4, s24;
	s0 =	sadd.s32 s0, s10  }
0x17: {  	[dreg:$0x14] =	wrdreg s3;
	s3 =	sadd.s32 s4, s26;
	s0 =	sshll.u32 s0, $0x4  }
0x18: {  	s26 =	smul.u32 $0x4F000, s11;
	[dreg:$0x16] =	wrdreg s3;
	s29 =	sadd.s32 $0x90, s0  }
0x19: {  	s10 =	sadd.s32 $0xD0, s0;
	s12 =	sadd.s32 $0xC0, s0;
	s15 =	sadd.s32 $0xB0, s0  }
0x1a: {  	s16 =	sadd.s32 $0xA0, s0;
	s20 =	sadd.s32 s0, s2;
	s23 =	sadd.s32 s0, s4  }
0x1b: {  	s24 =	sadd.s32 $0x70, s0;
	s25 =	sadd.s32 $0x60, s0;
	s28 =	sshrl.u32 s26, $0x2  }
0x1c: {  	s7 =	sadd.s32 s29, s2;
	s9 =	sadd.s32 s29, s4;
	s21 =	sadd.s32 s10, s2  }
0x1d: {  	s22 =	sadd.s32 s10, s4;
	s13 =	sadd.s32 s12, s2;
	s14 =	sadd.s32 s12, s4  }
0x1e: {  	s17 =	sadd.s32 s15, s2;
	s3 =	sadd.s32 s15, s4;
	[dreg:$0x18] =	wrdreg s7  }
0x1f: {  	s18 =	sadd.s32 s16, s2;
	s19 =	sadd.s32 s16, s4;
	[dreg:$0x19] =	wrdreg s9  }
0x20: {  	s0 =	sadd.s32 s24, s2;
	s31 =	sadd.s32 s24, s4;
	[dreg:$0x1a] =	wrdreg s13  }
0x21: {  	s2 =	sadd.s32 s25, s2;
	s4 =	sadd.s32 s25, s4;
	[dreg:$0x1b] =	wrdreg s14  }
0x22: {  	s29 =	sshll.u32 s11, $0x6;
	s11 =	simm.s32 $0x400;
	[dreg:$0x1c] =	wrdreg s17  }
0x23: {  	s12 =	simm.s32 $0x80;
	s10 =	simm.s32 $0x800;
	[dreg:$0x1d] =	wrdreg s3  }
0x24: {  	s15 =	simm.s32 $0x9;
	s16 =	simm.s32 $0xB;
	[dreg:$0x1e] =	wrdreg s18  }
0x25: {  	s25 =	simm.s32 $0x6;
	s24 =	simm.s32 $0x0;
	[dreg:$0x1f] =	wrdreg s19  }
0x26: {  	s3 =	rddreg [dreg:$0x5];
	s18 =	sor.u32 $0x1C0D, s29;
	s9 =	sadd.s32 $0x80, s23  }
.Ltmp0:
0x27: {  	s23 =	simm.s32 $0xD;
	s13 =	simm.s32 $0x4800;
	(pc) =	sbr.rel .LBB2_1-.Ltmp0, $4  }
0x28: {  	s17 =	simm.s32 $0x3;
	s7 =	simm.s32 $0xA;
	s14 =	simm.s32 $0xC  }
0x29: {  	s19 =	simm.s32 $0x4;
	_ =	strace $0x80000047;
	[smem:$0x7FC] =	sst s5  }
0x2a: {  	s8 =	sadd.s32 s28, s3;
	s5 =	simm.s32 $0x600;
	[smem:$0x7FD] =	sst s18  }
0x2b: {  	[smem:$0x7FB] =	sst s8;
	s8 =	sadd.s32 $0x80, s20;
	s20 =	simm.s32 $0x5  }
.LBB2_12:
0x2c: {  	_ =	swait.ge [sflag:s16], $0x4000  }
0x2d: {  	[sflag:s16] =	ssyncset.done $0x0  }
0x2e: {  	[sflag:s16] =	ssyncadd.s32 $0xFFFFC000  }
0x2f: {  	_ =	swait.ge [sflag:s14], $0x4000  }
0x30: {  	[sflag:s14] =	ssyncset.done $0x0  }
0x31: {  	[sflag:s14] =	ssyncadd.s32 $0xFFFFC000  }
0x32: {  	[bflag:$0x0] =	sbarrier.arrive $0xFFFF  }
0x33: {  	s18 =	sld [smem:$0x7FD]  }
0x34: {  	s23 =	sld [smem:$0x7FA];
	_ =	sdelay $0x1  }
0x35: {  	s6 =	rddreg [dreg:$0x17]  }
0x36: {  	[hbm:s6], [sflag:s18] =	dma.local [spmem:s23], $0x2780  }
0x37: {  	s23 =	simm.s32 $0xD  }
0x38: {  	_ =	swait.ge [sflag:s23], $0x2780  }
0x39: {  	s24 =	sld [smem:$0x7F9]  }
0x3a: {  	s29 =	sld [smem:$0x7FC];
	_ =	sdelay $0x1  }
0x3b: {  	s24 =	sadd.s32 $0x1, s24  }
0x3c: {  	p0 =	sne.s32 s24, s29  }
.Ltmp1:
0x3d: {  	_ = 	snop;
	(pc) =	sbr.rel @!p0 .LBB2_13-.Ltmp1, $3  }
0x3e: {  	_ =	sdelay $0x1  }
0x3f: {  	[sflag:s23] =	ssyncset.done $0x0  }
0x40: {  	[sflag:s23] =	ssyncadd.s32 $0xFFFFD880  }
.LBB2_1:
0x41: {  	s6 =	sld [smem:$0x7FB];
	_ =	sdelay $0x1  }
0x42: {  	[smem:$0x7F9] =	sst s24  }
0x43: {  	s26 =	rddreg [dreg:$0x3];
	s6 =	sshrl.u32 s6, $0x3  }
0x44: {  	[smem:$0x7FA] =	sst s6  }
0x45: {  	[spmem:s6], [sflag:s18] =	dma.local [hbm:s26], $0x2780  }
0x46: {  	_ =	swait.ge [sflag:s23], $0x2780  }
0x47: {  	[sflag:s23] =	ssyncset.done $0x0  }
0x48: {  	[sflag:s23] =	ssyncadd.s32 $0xFFFFD880  }
0x49: {  	[bflag:$0x0] =	sbarrier.arrive $0xFFFF  }
0x4a: {  	s23 =	rddreg [dreg:$0x7]  }
0x4b: {  	[tilespmem:s1], [sflag:$0x1] =	stream.linear.gather [hbm4b:s23+s1], $0x80, $0x38;
	[tilespmem:$0x1C400] =	vst v63  }
0x4c: {  	s24 =	rddreg [dreg:$0x8]  }
0x4d: {  	[tilespmem:s11], [sflag:$0x1] =	stream.linear.gather [hbm4b:s24+s1], $0x80, $0x38;
	[tilespmem:$0x1C400] =	vst v63  }
0x4e: {  	s26 =	rddreg [dreg:$0x9]  }
0x4f: {  	[tilespmem:s12], [sflag:$0x2] =	stream.linear.gather [hbm4b:s26+s1], $0x80, $0x38;
	[tilespmem:$0x1C400] =	vst v63  }
0x50: {  	s18 =	rddreg [dreg:$0xa];
	s23 =	simm.s32 $0x480  }
0x51: {  	[tilespmem:s23], [sflag:$0x2] =	stream.linear.gather [hbm4b:s18+s1], $0x80, $0x38;
	[tilespmem:$0x1C400] =	vst v63  }
0x52: {  	s24 =	rddreg [dreg:$0xb];
	s26 =	simm.s32 $0x100  }
0x53: {  	[tilespmem:s26], [sflag:$0x3] =	stream.linear.gather [hbm4b:s24+s1], $0x80, $0x38;
	[tilespmem:$0x1C400] =	vst v63  }
0x54: {  	s18 =	rddreg [dreg:$0xc];
	s23 =	simm.s32 $0x500  }
0x55: {  	[tilespmem:s23], [sflag:$0x3] =	stream.linear.gather [hbm4b:s18+s1], $0x80, $0x38;
	[tilespmem:$0x1C400] =	vst v63  }
0x56: {  	s24 =	rddreg [dreg:$0xd];
	s26 =	simm.s32 $0x180  }
0x57: {  	[tilespmem:s26], [sflag:$0x4] =	stream.linear.gather [hbm4b:s24+s1], $0x80, $0x38;
	[tilespmem:$0x1C400] =	vst v63  }
0x58: {  	s18 =	rddreg [dreg:$0xe];
	s23 =	simm.s32 $0x580  }
0x59: {  	[tilespmem:s23], [sflag:$0x4] =	stream.linear.gather [hbm4b:s18+s1], $0x80, $0x38;
	[tilespmem:$0x1C400] =	vst v63  }
0x5a: {  	s24 =	rddreg [dreg:$0xf];
	s26 =	simm.s32 $0x200  }
0x5b: {  	[tilespmem:s26], [sflag:$0x5] =	stream.linear.gather [hbm4b:s24+s1], $0x80, $0x38;
	[tilespmem:$0x1C400] =	vst v63  }
0x5c: {  	s23 =	rddreg [dreg:$0x10]  }
0x5d: {  	[tilespmem:s5], [sflag:$0x5] =	stream.linear.gather [hbm4b:s23+s1], $0x80, $0x38;
	[tilespmem:$0x1C400] =	vst v63  }
0x5e: {  	s24 =	rddreg [dreg:$0x11];
	s26 =	simm.s32 $0x280  }
0x5f: {  	[tilespmem:s26], [sflag:$0x6] =	stream.linear.gather [hbm4b:s24+s1], $0x80, $0x38;
	[tilespmem:$0x1C400] =	vst v63  }
0x60: {  	s18 =	rddreg [dreg:$0x12];
	s23 =	simm.s32 $0x680  }
0x61: {  	[tilespmem:s23], [sflag:$0x6] =	stream.linear.gather [hbm4b:s18+s1], $0x80, $0x38;
	[tilespmem:$0x1C400] =	vst v63  }
0x62: {  	s24 =	rddreg [dreg:$0x13];
	s26 =	simm.s32 $0x300  }
0x63: {  	[tilespmem:s26], [sflag:$0x7] =	stream.linear.gather [hbm4b:s24+s1], $0x80, $0x38;
	[tilespmem:$0x1C400] =	vst v63  }
0x64: {  	s18 =	rddreg [dreg:$0x14];
	s23 =	simm.s32 $0x700  }
0x65: {  	[tilespmem:s23], [sflag:$0x7] =	stream.linear.gather [hbm4b:s18+s1], $0x80, $0x38;
	[tilespmem:$0x1C400] =	vst v63  }
0x66: {  	s24 =	rddreg [dreg:$0x15];
	s26 =	simm.s32 $0x380  }
0x67: {  	[tilespmem:s26], [sflag:$0x8] =	stream.linear.gather [hbm4b:s24+s1], $0x80, $0x38;
	[tilespmem:$0x1C400] =	vst v63  }
0x68: {  	s18 =	rddreg [dreg:$0x16];
	s23 =	simm.s32 $0x780;
	s24 =	simm.s32 $0x1  }
0x69: {  	[tilespmem:s23], [sflag:$0x8] =	stream.linear.gather [hbm4b:s18+s1], $0x80, $0x38;
	[tilespmem:$0x1C400] =	vst v63  }
0x6a: {  	_ =	swait.ge [sflag:s24], $0x80  }
0x6b: {  	[sflag:s24] =	ssyncset.done $0x0  }
0x6c: {  	[sflag:s24] =	ssyncadd.s32 $0xFFFFFF80  }
0x6d: {  	_ =	swait.ge [sflag:s24], $0x80  }
0x6e: {  	[sflag:s24] =	ssyncset.done $0x0  }
0x6f: {  	s26 =	simm.s32 $0x2;
	[sflag:s24] =	ssyncadd.s32 $0xFFFFFF80  }
0x70: {  	[tilespmem:s10], [sflag:$0x9] =	stream.indirect.gather [hbm4b:s30+s12], $0x80, s1, s12, $0xb8;
	[tilespmem:$0x1C400] =	vst v63  }
0x71: {  	_ =	swait.ge [sflag:s26], $0x80  }
0x72: {  	[sflag:s26] =	ssyncset.done $0x0  }
.Ltmp2:
0x73: {  	[sflag:s26] =	ssyncadd.s32 $0xFFFFFF80;
	(pc) =	sbr.rel .LBB2_2-.Ltmp2, $4  }
0x74: {  	_ =	swait.ge [sflag:s26], $0x80  }
0x75: {  	s29 =	simm.s32 $0xFFFFFFFF;
	[sflag:s26] =	ssyncset.done $0x0  }
0x76: {  	s28 =	simm.s32 $0x0;
	[sflag:s26] =	ssyncadd.s32 $0xFFFFFF80;
	s26 =	simm.s32 $0x7  }
0x77: {  	[tilespmem:s13], [sflag:$0xA] =	stream.indirect.gather [hbm4b:s30+s12], $0x80, s12, s12, $0xb8;
	[tilespmem:$0x1C400] =	vst v63  }
.LBB2_8:
0x78: {  	s6 =	rddreg [dreg:$0x1a]  }
0x79: {  	s18 =	simm.s32 $0x200;
	s24 =	rddreg [dreg:$0x1b];
	s6 =	sadd.s32 s28, s6  }
0x7a: {  	[tilespmem:s18], [sflag:$0x5] =	stream.linear.gather [hbm4b:s6+s1], $0x80, $0x38;
	[tilespmem:$0x1C400] =	vst v63  }
0x7b: {  	s6 =	sadd.s32 s28, s24  }
0x7c: {  	[tilespmem:s5], [sflag:$0x5] =	stream.linear.gather [hbm4b:s6+s1], $0x80, $0x38;
	[tilespmem:$0x1C400] =	vst v63  }
.LBB2_10:
0x7d: {  	_ =	swait.ge [sflag:s7], $0x4000  }
0x7e: {  	[sflag:s7] =	ssyncset.done $0x0  }
0x7f: {  	s6 =	simm.s32 $0x680;
	[sflag:s7] =	ssyncadd.s32 $0xFFFFC000  }
0x80: {  	[spmem:s3] =	stream.indirect.scatter.add.f32 [tilespmem:s13], [sflag:$0xC], $0x80, s6, s12, $0xb8;
	[tilespmem:$0x1C400] =	vst v63  }
.LBB2_11:
0x81: {  	p0 =	sgt.u32 s26, $0x50  }
0x82: {  	s6 =	simm.s32 @!p0 $0xC  }
0x83: {  	_ =	swait.ge @!p0 [sflag:s6], $0x4000  }
0x84: {  	[sflag:s6] =	ssyncset.done @!p0 $0x0  }
0x85: {  	[sflag:s6] =	ssyncadd.s32 @!p0 $0xFFFFC000;
	s6 =	simm.s32 @!p0 $0x8  }
0x86: {  	_ =	swait.ge @!p0 [sflag:s6], $0x80  }
0x87: {  	[sflag:s6] =	ssyncset.done @!p0 $0x0  }
0x88: {  	[sflag:s6] =	ssyncadd.s32 @!p0 $0xFFFFFF80  }
0x89: {  	_ =	swait.ge @!p0 [sflag:s6], $0x80  }
0x8a: {  	s18 =	simm.s32 @!p0 $0x380;
	[sflag:s6] =	ssyncset.done @!p0 $0x0  }
0x8b: {  	s23 =	simm.s32 @!p0 $0x4800;
	[sflag:s6] =	ssyncadd.s32 @!p0 $0xFFFFFF80;
	s6 =	simm.s32 @!p0 $0x80  }
0x8c: {  	[tilespmem:s23], [sflag:$0xA] =	stream.indirect.gather @!p0 [hbm4b:s30+s6], $0x80, s18, s6, $0xb8;
	[tilespmem:$0x1C400] =	vst v63  }
0x8d: {  	s6 =	sadd.s32 @p1 s28, s21;
	s18 =	simm.s32 @p1 $0x0;
	s23 =	simm.s32 @p1 $0x280  }
0x8e: {  	[tilespmem:s23], [sflag:$0x6] =	stream.linear.gather @p1 [hbm4b:s6+s18], $0x80, $0x38;
	[tilespmem:$0x1C400] =	vst v63  }
0x8f: {  	s6 =	sadd.s32 @p1 s28, s22;
	s28 =	sadd.s32 $0x80, s28  }
0x90: {  	s23 =	simm.s32 @p1 $0x680;
	p0 =	sne.s32 s28, $0x580  }
0x91: {  	[tilespmem:s23], [sflag:$0x6] =	stream.linear.gather @p1 [hbm4b:s6+s18], $0x80, $0x38;
	[tilespmem:$0x1C400] =	vst v63  }
.Ltmp3:
0x92: {  	s6 =	simm.s32 @!p2 $0x9;
	(pc) =	sbr.rel @!p0 .LBB2_12-.Ltmp3, $4  }
0x93: {  	_ =	swait.ge @!p2 [sflag:s6], $0x4000  }
0x94: {  	s26 =	sadd.s32 $0x8, s26;
	s18 =	simm.s32 @!p2 $0x700;
	[sflag:s6] =	ssyncset.done @!p2 $0x0  }
0x95: {  	s23 =	simm.s32 @!p2 $0x800;
	[sflag:s6] =	ssyncadd.s32 @!p2 $0xFFFFC000;
	s6 =	simm.s32 @!p2 $0x80  }
0x96: {  	[spmem:s3] =	stream.indirect.scatter.add.f32 @!p2 [tilespmem:s23], [sflag:$0xB], $0x80, s18, s6, $0xb8;
	[tilespmem:$0x1C400] =	vst v63  }
.LBB2_2:
0x97: {  	s6 =	sadd.s32 $0xFFFFFFF7, s26  }
0x98: {  	p0 =	sgt.u32 s6, $0x4E  }
0x99: {  	s6 =	simm.s32 @!p0 $0xB  }
0x9a: {  	_ =	swait.ge @!p0 [sflag:s6], $0x4000  }
0x9b: {  	[sflag:s6] =	ssyncset.done @!p0 $0x0  }
0x9c: {  	[sflag:s6] =	ssyncadd.s32 @!p0 $0xFFFFC000;
	s6 =	simm.s32 @!p0 $0x1  }
0x9d: {  	_ =	swait.ge @!p0 [sflag:s6], $0x80  }
0x9e: {  	[sflag:s6] =	ssyncset.done @!p0 $0x0  }
0x9f: {  	[sflag:s6] =	ssyncadd.s32 @!p0 $0xFFFFFF80  }
0xa0: {  	_ =	swait.ge @!p0 [sflag:s6], $0x80  }
0xa1: {  	s23 =	simm.s32 @!p0 $0x0;
	s24 =	simm.s32 @!p0 $0x800;
	[sflag:s6] =	ssyncset.done @!p0 $0x0  }
0xa2: {  	p1 =	seq.s32 @!p0 s28, $0x500;
	[sflag:s6] =	ssyncadd.s32 @!p0 $0xFFFFFF80;
	s6 =	simm.s32 @!p0 $0x80  }
0xa3: {  	[tilespmem:s24], [sflag:$0x9] =	stream.indirect.gather @!p0 [hbm4b:s30+s6], $0x80, s23, s6, $0xb8;
	[tilespmem:$0x1C400] =	vst v63  }
0xa4: {  	p0 =	por p1, p0  }
0xa5: {  	s6 =	sadd.s32 @!p0 s28, s2;
	s23 =	simm.s32 @!p0 $0x0;
	s24 =	simm.s32 @!p0 $0x300  }
0xa6: {  	[tilespmem:s24], [sflag:$0x7] =	stream.linear.gather @!p0 [hbm4b:s6+s23], $0x80, $0x38;
	[tilespmem:$0x1C400] =	vst v63  }
0xa7: {  	s18 =	simm.s32 @!p0 $0x700;
	s6 =	sadd.s32 $0xFFFFFFF8, s26;
	s24 =	sadd.s32 @!p0 s28, s4  }
0xa8: {  	[tilespmem:s18], [sflag:$0x7] =	stream.linear.gather @!p0 [hbm4b:s24+s23], $0x80, $0x38;
	[tilespmem:$0x1C400] =	vst v63  }
0xa9: {  	p0 =	sgt.u32 s6, $0x50  }
0xaa: {  	s6 =	simm.s32 @!p0 $0xA  }
0xab: {  	_ =	swait.ge @!p0 [sflag:s6], $0x4000  }
0xac: {  	s18 =	simm.s32 @!p0 $0x780;
	[sflag:s6] =	ssyncset.done @!p0 $0x0  }
0xad: {  	s23 =	simm.s32 @!p0 $0x4800;
	[sflag:s6] =	ssyncadd.s32 @!p0 $0xFFFFC000;
	s6 =	simm.s32 @!p0 $0x80  }
0xae: {  	[spmem:s3] =	stream.indirect.scatter.add.f32 @!p0 [tilespmem:s23], [sflag:$0xC], $0x80, s18, s6, $0xb8;
	[tilespmem:$0x1C400] =	vst v63  }
0xaf: {  	p0 =	sgt.u32 s29, $0x8  }
0xb0: {  	s6 =	simm.s32 @!p0 $0xC  }
0xb1: {  	_ =	swait.ge @!p0 [sflag:s6], $0x4000  }
0xb2: {  	[sflag:s6] =	ssyncset.done @!p0 $0x0  }
0xb3: {  	[sflag:s6] =	ssyncadd.s32 @!p0 $0xFFFFC000;
	s6 =	simm.s32 @!p0 $0x2  }
0xb4: {  	_ =	swait.ge @!p0 [sflag:s6], $0x80  }
0xb5: {  	[sflag:s6] =	ssyncset.done @!p0 $0x0  }
0xb6: {  	[sflag:s6] =	ssyncadd.s32 @!p0 $0xFFFFFF80  }
0xb7: {  	_ =	swait.ge @!p0 [sflag:s6], $0x80  }
0xb8: {  	[sflag:s6] =	ssyncset.done @!p0 $0x0  }
0xb9: {  	s18 =	simm.s32 @!p0 $0x4800;
	[sflag:s6] =	ssyncadd.s32 @!p0 $0xFFFFFF80;
	s6 =	simm.s32 @!p0 $0x80  }
0xba: {  	[tilespmem:s18], [sflag:$0xA] =	stream.indirect.gather @!p0 [hbm4b:s30+s6], $0x80, s6, s6, $0xb8;
	[tilespmem:$0x1C400] =	vst v63  }
0xbb: {  	p0 =	seq.s32 s28, $0x0  }
0xbc: {  	p1 =	sgt.u32 @!p0 s26, $0x50  }
0xbd: {  	p0 =	por p1, p0  }
0xbe: {  	s6 =	sadd.s32 @!p0 s28, s0;
	s18 =	simm.s32 @!p0 $0x0;
	s23 =	simm.s32 @!p0 $0x380  }
0xbf: {  	[tilespmem:s23], [sflag:$0x8] =	stream.linear.gather @!p0 [hbm4b:s6+s18], $0x80, $0x38;
	[tilespmem:$0x1C400] =	vst v63  }
0xc0: {  	s29 =	sadd.s32 $0x1, s29;
	s6 =	sadd.s32 @!p0 s28, s31;
	s23 =	simm.s32 @!p0 $0x780  }
0xc1: {  	[tilespmem:s23], [sflag:$0x8] =	stream.linear.gather @!p0 [hbm4b:s6+s18], $0x80, $0x38;
	[tilespmem:$0x1C400] =	vst v63  }
0xc2: {  	p0 =	sgt.u32 s29, $0x9  }
.Ltmp4:
0xc3: {  	_ = 	snop;
	(pc) =	sbr.rel @p0 .LBB2_4-.Ltmp4, $4  }
0xc4: {  	_ =	swait.ge [sflag:s15], $0x4000  }
0xc5: {  	[sflag:s15] =	ssyncset.done $0x0  }
0xc6: {  	[sflag:s15] =	ssyncadd.s32 $0xFFFFC000  }
0xc7: {  	[spmem:s3] =	stream.indirect.scatter.add.f32 [tilespmem:s10], [sflag:$0xB], $0x80, s11, s12, $0xb8;
	[tilespmem:$0x1C400] =	vst v63  }
0xc8: {  	_ =	swait.ge [sflag:s16], $0x4000  }
0xc9: {  	[sflag:s16] =	ssyncset.done $0x0  }
0xca: {  	[sflag:s16] =	ssyncadd.s32 $0xFFFFC000  }
0xcb: {  	_ =	swait.ge [sflag:s17], $0x80  }
0xcc: {  	[sflag:s17] =	ssyncset.done $0x0  }
.Ltmp5:
0xcd: {  	[sflag:s17] =	ssyncadd.s32 $0xFFFFFF80;
	(pc) =	sbr.rel .LBB2_5-.Ltmp5, $4  }
0xce: {  	_ =	swait.ge [sflag:s17], $0x80  }
0xcf: {  	[sflag:s17] =	ssyncset.done $0x0  }
0xd0: {  	s6 =	simm.s32 $0x100;
	[sflag:s17] =	ssyncadd.s32 $0xFFFFFF80  }
0xd1: {  	[tilespmem:s10], [sflag:$0x9] =	stream.indirect.gather [hbm4b:s30+s12], $0x80, s6, s12, $0xb8;
	[tilespmem:$0x1C400] =	vst v63  }
.LBB2_4:
0xd2: {  	p2 =	seq.s32 s28, $0x500  }
.Ltmp6:
0xd3: {  	_ = 	snop;
	(pc) =	sbr.rel @p2 .LBB2_7-.Ltmp6, $2  }
0xd4: {  	_ =	sdelay $0x2  }
0xd5: {  	p1 =	por $0x0, $0x0  }
.LBB2_5:
.Ltmp7:
0xd6: {  	(pc) =	sbr.rel @p0 .LBB2_7-.Ltmp7, $4  }
0xd7: {  	s6 =	sadd.s32 s28, s8  }
0xd8: {  	[tilespmem:s1], [sflag:$0x1] =	stream.linear.gather [hbm4b:s6+s1], $0x80, $0x38;
	[tilespmem:$0x1C400] =	vst v63  }
0xd9: {  	s24 =	sadd.s32 s28, s9;
	p1 =	por $0x0, $0x0  }
0xda: {  	[tilespmem:s11], [sflag:$0x1] =	stream.linear.gather [hbm4b:s24+s1], $0x80, $0x38;
	[tilespmem:$0x1C400] =	vst v63  }
0xdb: {  	_ =	swait.ge [sflag:s7], $0x4000  }
0xdc: {  	[sflag:s7] =	ssyncset.done $0x0  }
0xdd: {  	s6 =	simm.s32 $0x480;
	[sflag:s7] =	ssyncadd.s32 $0xFFFFC000  }
0xde: {  	[spmem:s3] =	stream.indirect.scatter.add.f32 [tilespmem:s13], [sflag:$0xC], $0x80, s6, s12, $0xb8;
	[tilespmem:$0x1C400] =	vst v63  }
0xdf: {  	_ =	swait.ge [sflag:s14], $0x4000  }
0xe0: {  	[sflag:s14] =	ssyncset.done $0x0  }
0xe1: {  	[sflag:s14] =	ssyncadd.s32 $0xFFFFC000  }
0xe2: {  	_ =	swait.ge [sflag:s19], $0x80  }
0xe3: {  	[sflag:s19] =	ssyncset.done $0x0  }
0xe4: {  	[sflag:s19] =	ssyncadd.s32 $0xFFFFFF80  }
0xe5: {  	_ =	swait.ge [sflag:s19], $0x80  }
0xe6: {  	s18 =	simm.s32 $0x180;
	[sflag:s19] =	ssyncset.done $0x0  }
0xe7: {  	p1 =	seq.s32 s28, $0x480;
	s6 =	rddreg [dreg:$0x18];
	[sflag:s19] =	ssyncadd.s32 $0xFFFFFF80  }
0xe8: {  	[tilespmem:s13], [sflag:$0xA] =	stream.indirect.gather [hbm4b:s30+s12], $0x80, s18, s12, $0xb8;
	[tilespmem:$0x1C400] =	vst v63  }
0xe9: {  	s23 =	simm.s32 @!p1 $0x80;
	s6 =	sadd.s32 @!p1 s28, s6;
	s18 =	simm.s32 @!p1 $0x0  }
0xea: {  	[tilespmem:s23], [sflag:$0x2] =	stream.linear.gather @!p1 [hbm4b:s6+s18], $0x80, $0x38;
	[tilespmem:$0x1C400] =	vst v63  }
0xeb: {  	s6 =	rddreg [dreg:$0x19]  }
0xec: {  	s23 =	simm.s32 @!p1 $0x480;
	s6 =	sadd.s32 @!p1 s28, s6  }
0xed: {  	[tilespmem:s23], [sflag:$0x2] =	stream.linear.gather @!p1 [hbm4b:s6+s18], $0x80, $0x38;
	[tilespmem:$0x1C400] =	vst v63  }
0xee: {  	_ =	swait.ge [sflag:s15], $0x4000  }
0xef: {  	[sflag:s15] =	ssyncset.done $0x0  }
0xf0: {  	s23 =	simm.s32 $0x500;
	[sflag:s15] =	ssyncadd.s32 $0xFFFFC000  }
0xf1: {  	[spmem:s3] =	stream.indirect.scatter.add.f32 [tilespmem:s10], [sflag:$0xB], $0x80, s23, s12, $0xb8;
	[tilespmem:$0x1C400] =	vst v63  }
0xf2: {  	_ =	swait.ge [sflag:s16], $0x4000  }
0xf3: {  	[sflag:s16] =	ssyncset.done $0x0  }
0xf4: {  	[sflag:s16] =	ssyncadd.s32 $0xFFFFC000  }
0xf5: {  	_ =	swait.ge [sflag:s20], $0x80  }
0xf6: {  	[sflag:s20] =	ssyncset.done $0x0  }
0xf7: {  	[sflag:s20] =	ssyncadd.s32 $0xFFFFFF80  }
0xf8: {  	_ =	swait.ge [sflag:s20], $0x80  }
0xf9: {  	[sflag:s20] =	ssyncset.done $0x0  }
0xfa: {  	s24 =	simm.s32 $0x200;
	s6 =	rddreg [dreg:$0x1e];
	[sflag:s20] =	ssyncadd.s32 $0xFFFFFF80  }
0xfb: {  	[tilespmem:s10], [sflag:$0x9] =	stream.indirect.gather [hbm4b:s30+s12], $0x80, s24, s12, $0xb8;
	[tilespmem:$0x1C400] =	vst v63  }
0xfc: {  	s23 =	simm.s32 @!p1 $0x100;
	s6 =	sadd.s32 @!p1 s28, s6  }
0xfd: {  	[tilespmem:s23], [sflag:$0x3] =	stream.linear.gather @!p1 [hbm4b:s6+s18], $0x80, $0x38;
	[tilespmem:$0x1C400] =	vst v63  }
0xfe: {  	s6 =	rddreg [dreg:$0x1f]  }
0xff: {  	s23 =	simm.s32 @!p1 $0x500;
	s6 =	sadd.s32 @!p1 s28, s6  }
0x100: {  	[tilespmem:s23], [sflag:$0x3] =	stream.linear.gather @!p1 [hbm4b:s6+s18], $0x80, $0x38;
	[tilespmem:$0x1C400] =	vst v63  }
0x101: {  	_ =	swait.ge [sflag:s7], $0x4000  }
0x102: {  	[sflag:s7] =	ssyncset.done $0x0  }
0x103: {  	s23 =	simm.s32 $0x580;
	[sflag:s7] =	ssyncadd.s32 $0xFFFFC000  }
0x104: {  	[spmem:s3] =	stream.indirect.scatter.add.f32 [tilespmem:s13], [sflag:$0xC], $0x80, s23, s12, $0xb8;
	[tilespmem:$0x1C400] =	vst v63  }
0x105: {  	_ =	swait.ge [sflag:s14], $0x4000  }
0x106: {  	[sflag:s14] =	ssyncset.done $0x0  }
0x107: {  	[sflag:s14] =	ssyncadd.s32 $0xFFFFC000  }
0x108: {  	_ =	swait.ge [sflag:s25], $0x80  }
0x109: {  	[sflag:s25] =	ssyncset.done $0x0  }
0x10a: {  	[sflag:s25] =	ssyncadd.s32 $0xFFFFFF80  }
0x10b: {  	_ =	swait.ge [sflag:s25], $0x80  }
0x10c: {  	[sflag:s25] =	ssyncset.done $0x0  }
0x10d: {  	s24 =	simm.s32 $0x280;
	s6 =	rddreg [dreg:$0x1c];
	[sflag:s25] =	ssyncadd.s32 $0xFFFFFF80  }
0x10e: {  	[tilespmem:s13], [sflag:$0xA] =	stream.indirect.gather [hbm4b:s30+s12], $0x80, s24, s12, $0xb8;
	[tilespmem:$0x1C400] =	vst v63  }
0x10f: {  	s23 =	simm.s32 @!p1 $0x180;
	s6 =	sadd.s32 @!p1 s28, s6  }
0x110: {  	[tilespmem:s23], [sflag:$0x4] =	stream.linear.gather @!p1 [hbm4b:s6+s18], $0x80, $0x38;
	[tilespmem:$0x1C400] =	vst v63  }
0x111: {  	s6 =	rddreg [dreg:$0x1d]  }
0x112: {  	s23 =	simm.s32 @!p1 $0x580;
	s6 =	sadd.s32 @!p1 s28, s6  }
0x113: {  	[tilespmem:s23], [sflag:$0x4] =	stream.linear.gather @!p1 [hbm4b:s6+s18], $0x80, $0x38;
	[tilespmem:$0x1C400] =	vst v63  }
0x114: {  	_ =	swait.ge [sflag:s15], $0x4000  }
0x115: {  	[sflag:s15] =	ssyncset.done $0x0  }
0x116: {  	p1 =	sne.s32 s28, $0x480;
	[sflag:s15] =	ssyncadd.s32 $0xFFFFC000  }
0x117: {  	[spmem:s3] =	stream.indirect.scatter.add.f32 [tilespmem:s10], [sflag:$0xB], $0x80, s5, s12, $0xb8;
	[tilespmem:$0x1C400] =	vst v63  }
.LBB2_7:
0x118: {  	s6 =	sadd.s32 $0xFFFFFFFF, s26  }
0x119: {  	p2 =	sgt.u32 s6, $0x50  }
0x11a: {  	s6 =	simm.s32 @!p2 $0xB  }
0x11b: {  	_ =	swait.ge @!p2 [sflag:s6], $0x4000  }
0x11c: {  	[sflag:s6] =	ssyncset.done @!p2 $0x0  }
0x11d: {  	[sflag:s6] =	ssyncadd.s32 @!p2 $0xFFFFC000;
	s6 =	simm.s32 @!p2 $0x7  }
0x11e: {  	_ =	swait.ge @!p2 [sflag:s6], $0x80  }
0x11f: {  	[sflag:s6] =	ssyncset.done @!p2 $0x0  }
.Ltmp8:
0x120: {  	[sflag:s6] =	ssyncadd.s32 @!p2 $0xFFFFFF80;
	(pc) =	sbr.rel @p1 .LBB2_8-.Ltmp8, $4  }
0x121: {  	_ =	swait.ge @!p2 [sflag:s6], $0x80  }
0x122: {  	s18 =	simm.s32 @!p2 $0x300;
	[sflag:s6] =	ssyncset.done @!p2 $0x0  }
0x123: {  	s23 =	simm.s32 @!p2 $0x800;
	[sflag:s6] =	ssyncadd.s32 @!p2 $0xFFFFFF80;
	s6 =	simm.s32 @!p2 $0x80  }
0x124: {  	[tilespmem:s23], [sflag:$0x9] =	stream.indirect.gather @!p2 [hbm4b:s30+s6], $0x80, s18, s6, $0xb8;
	[tilespmem:$0x1C400] =	vst v63  }
.Ltmp9:
0x125: {  	(pc) =	sbr.rel @p0 .LBB2_11-.Ltmp9, $4  }
.Ltmp10:
0x126: {  	(pc) =	sbr.rel @!p0 .LBB2_10-.Ltmp10, $4  }
0x127: {  	_ = 	snop  }
0x128: {  	_ = 	snop  }
0x129: {  	_ = 	snop  }
0x12a: {  	_ = 	snop  }
.LBB2_13:
0x12b: {  	_ =	sfence.sel $0x180000  }
0x12c: {  	[bflag:$0x0] =	sbarrier.arrive $0xFFFF  }
0x12d: {  	_ =	strace $0x90000047  }
0x12e: {  	s0 =	stileid.u32;
	[bflag:$0x2] =	sbarrier.arrive $0xFFFF  }
0x12f: {  	p0 =	sne.s32 s0, $0x0;
	s0 =	rddreg [dreg:$0x6]  }
0x130: {  	s0 =	sadd.s32 @!p0 $0x100000, s0  }
0x131: {  	[sflag:s0] =	ssyncadd.tile.s32 @!p0 $0x1;
	_ =	shalt  }
.Lfunc_end2:
_tile_overlayer_lowered:
.L_overlay_start_2:
0x132: {  	(tag) =	ssettag $0x2  }
0x133: {  	s0 =	rddreg [dreg:$0x0];
	s2 =	stileid.u32  }
0x134: {  	s1 =	rddreg [dreg:$0x1];
	p0 =	sne.s32 s2, $0x0  }
0x135: {  	s3 =	rddreg [dreg:$0x2];
	[bflag:$0x3] =	sbarrier.arrive $0xFFFF;
	s2 =	simm.s32 @!p0 $0x1C0D  }
0x136: {  	[timem:s3], [sflag:s2] =	dma.local @!p0 [hbm:s0], s1  }
0x137: {  	s0 =	simm.s32 @!p0 $0xD  }
0x138: {  	_ =	swait.ge @!p0 [sflag:s0], s1  }
0x139: {  	s1 =	ssub.s32 @!p0 $0x0, s1;
	[sflag:s0] =	ssyncset.done @!p0 $0x0  }
0x13a: {  	[sflag:s0] =	ssyncadd.s32 @!p0 s1  }
0x13b: {  	[bflag:$0x3] =	sbarrier.arrive $0xFFFF  }
0x13c: {  	_ =	shalt  }

</sc_bundles>
